<compile_context>
chip_gen: v7x
topology: tpu7x:2x2x1
jax: 0.10.2.dev20260603
libtpu: 0.0.44.dev20260713+nightly
codegen_flags: <defaults>
</compile_context>

<pallas_src>
import functools

import jax
import jax.numpy as jnp
from jax import lax
from jax.experimental import pallas as pl
from jax.experimental.pallas import tpu as pltpu
from jax.experimental.pallas import tpu_sc as plsc

T = 2048
D = 768
NH = 12
NKV = 4
HD = 64
E = 16
K = 2
MI = 384
SI = 1024
EPS = 1e-6
REP = NH // NKV

BT = 256
BQ = 256
BM = 128
NP = K * T + E * BM
NBLK = NP // BM


def _dotT(a, b):
    return lax.dot_general(a, b, (((1,), (1,)), ((), ())),
                           preferred_element_type=jnp.float32)


def _dotT_hi(a, b):
    return lax.dot_general(a, b, (((1,), (1,)), ((), ())),
                           precision=lax.Precision.HIGHEST,
                           preferred_element_type=jnp.float32)


def _rmsnorm(x, w):
    return x * lax.rsqrt(jnp.mean(x * x, axis=1, keepdims=True) + EPS) * w



def _pre_attn_body(h_ref, r_ref, ln_ref, w_ref, b_ref, res_ref, qkv_ref):
    x = h_ref[...] + r_ref[...]
    res_ref[...] = x
    nx = _rmsnorm(x, ln_ref[...])
    qkv_ref[...] = _dotT(nx, w_ref[...]) + b_ref[...]


def _pre_attn(h, r, ln_w, qkv_w, qkv_b):
    nq = (NH + 2 * NKV) * HD
    return pl.pallas_call(
        _pre_attn_body,
        grid=(T // BT,),
        in_specs=[
            pl.BlockSpec((BT, D), lambda i: (i, 0)),
            pl.BlockSpec((BT, D), lambda i: (i, 0)),
            pl.BlockSpec((1, D), lambda i: (0, 0)),
            pl.BlockSpec((nq, D), lambda i: (0, 0)),
            pl.BlockSpec((1, nq), lambda i: (0, 0)),
        ],
        out_specs=[
            pl.BlockSpec((BT, D), lambda i: (i, 0)),
            pl.BlockSpec((BT, nq), lambda i: (i, 0)),
        ],
        out_shape=[
            jax.ShapeDtypeStruct((T, D), jnp.float32),
            jax.ShapeDtypeStruct((T, nq), jnp.float32),
        ],
    )(h, r, ln_w.reshape(1, D), qkv_w, qkv_b.reshape(1, nq))



def _rope(x, cos, sin):
    half = HD // 2
    x1 = x[:, :half]
    x2 = x[:, half:]
    return jnp.concatenate([x1 * cos - x2 * sin, x2 * cos + x1 * sin], axis=1)


def _attn_body(q_ref, k_ref, v_ref, cq_ref, sq_ref, ck_ref, sk_ref, o_ref):
    qr = _rope(q_ref[0], cq_ref[...], sq_ref[...])
    kr = _rope(k_ref[0], ck_ref[...], sk_ref[...])
    s = lax.dot_general(qr, kr, (((1,), (1,)), ((), ())),
                        preferred_element_type=jnp.float32) * (HD ** -0.5)
    row = pl.program_id(1) * BQ + lax.broadcasted_iota(jnp.int32, (BQ, T), 0)
    col = lax.broadcasted_iota(jnp.int32, (BQ, T), 1)
    s = jnp.where(col <= row, s, -1e9)
    m = jnp.max(s, axis=1, keepdims=True)
    p = jnp.exp(s - m)
    p = p / jnp.sum(p, axis=1, keepdims=True)
    o_ref[0] = lax.dot_general(p, v_ref[0], (((1,), (0,)), ((), ())),
                               preferred_element_type=jnp.float32)


def _attention(q3, k3, v3, cos, sin):
    return pl.pallas_call(
        _attn_body,
        grid=(NH, T // BQ),
        in_specs=[
            pl.BlockSpec((1, BQ, HD), lambda h, qb: (h, qb, 0)),
            pl.BlockSpec((1, T, HD), lambda h, qb: (h // REP, 0, 0)),
            pl.BlockSpec((1, T, HD), lambda h, qb: (h // REP, 0, 0)),
            pl.BlockSpec((BQ, HD // 2), lambda h, qb: (qb, 0)),
            pl.BlockSpec((BQ, HD // 2), lambda h, qb: (qb, 0)),
            pl.BlockSpec((T, HD // 2), lambda h, qb: (0, 0)),
            pl.BlockSpec((T, HD // 2), lambda h, qb: (0, 0)),
        ],
        out_specs=pl.BlockSpec((1, BQ, HD), lambda h, qb: (h, qb, 0)),
        out_shape=jax.ShapeDtypeStruct((NH, T, HD), jnp.float32),
    )(q3, k3, v3, cos, sin, cos, sin)



def _post_attn_body(o_ref, ow_ref, r_ref, ln_ref, gw_ref,
                    res_ref, x_ref, wd_ref):
    ao = _dotT(o_ref[...], ow_ref[...])
    x = ao + r_ref[...]
    res_ref[...] = x
    nx = _rmsnorm(x, ln_ref[...])
    x_ref[...] = nx
    logits = _dotT(nx, gw_ref[...])
    m = jnp.max(logits, axis=1, keepdims=True)
    p = jnp.exp(logits - m)
    p = p / jnp.sum(p, axis=1, keepdims=True)
    iot = lax.broadcasted_iota(jnp.int32, (BT, E), 1)
    m1 = jnp.max(p, axis=1, keepdims=True)
    i1 = jnp.min(jnp.where(p == m1, iot, E), axis=1, keepdims=True)
    p2 = jnp.where(iot == i1, -1.0, p)
    m2 = jnp.max(p2, axis=1, keepdims=True)
    i2 = jnp.min(jnp.where(p2 == m2, iot, E), axis=1, keepdims=True)
    s = m1 + m2
    wd_ref[...] = (jnp.where(iot == i1, m1 / s, 0.0)
                   + jnp.where(iot == i2, m2 / s, 0.0))


def _post_attn(o, o_w, res1, ln_w, gate_w):
    return pl.pallas_call(
        _post_attn_body,
        grid=(T // BT,),
        in_specs=[
            pl.BlockSpec((BT, NH * HD), lambda i: (i, 0)),
            pl.BlockSpec((D, NH * HD), lambda i: (0, 0)),
            pl.BlockSpec((BT, D), lambda i: (i, 0)),
            pl.BlockSpec((1, D), lambda i: (0, 0)),
            pl.BlockSpec((E, D), lambda i: (0, 0)),
        ],
        out_specs=[
            pl.BlockSpec((BT, D), lambda i: (i, 0)),
            pl.BlockSpec((BT, D), lambda i: (i, 0)),
            pl.BlockSpec((BT, E), lambda i: (i, 0)),
        ],
        out_shape=[
            jax.ShapeDtypeStruct((T, D), jnp.float32),
            jax.ShapeDtypeStruct((T, D), jnp.float32),
            jax.ShapeDtypeStruct((T, E), jnp.float32),
        ],
    )(o, o_w, res1, ln_w.reshape(1, D), gate_w)



def _sc_gather(table, idx, n_rows, chunk):
    info = plsc.get_sparse_core_info()
    nw = info.num_cores * info.num_subcores
    b_per_w = n_rows // nw
    nchunk = b_per_w // chunk
    mesh = plsc.VectorSubcoreMesh(core_axis_name="c", subcore_axis_name="s")

    @functools.partial(
        pl.kernel, mesh=mesh,
        out_type=jax.ShapeDtypeStruct((n_rows, D), jnp.float32),
        scratch_types=[
            pltpu.VMEM((chunk,), jnp.int32),
            pltpu.VMEM((chunk, D), jnp.float32),
            pltpu.SemaphoreType.DMA,
        ],
    )
    def k(table_hbm, idx_hbm, out_hbm, idx_v, rows_v, sem):
        wid = lax.axis_index("s") * info.num_cores + lax.axis_index("c")
        for c in range(nchunk):
            base = wid * b_per_w + c * chunk
            pltpu.sync_copy(idx_hbm.at[pl.ds(base, chunk)], idx_v)
            pltpu.async_copy(table_hbm.at[idx_v], rows_v, sem).wait()
            pltpu.sync_copy(rows_v, out_hbm.at[pl.ds(base, chunk)])

    return k(table, idx)


def _srctok_body(pos_ref, tok_ref, out_ref):
    pos = pos_ref[...]
    tok = tok_ref[...]
    lane = lax.broadcasted_iota(jnp.int32, (1, 128), 1)
    rows = []
    for r in range(8):
        q = (pl.program_id(0) * 1024 + r * 128 + lane).astype(jnp.float32)
        eq = jnp.where(pos == q, 1.0, 0.0)
        rows.append(lax.dot_general(tok, eq, (((1,), (0,)), ((), ())),
                                    precision=lax.Precision.HIGHEST,
                                    preferred_element_type=jnp.float32))
    out_ref[...] = jnp.concatenate(rows, axis=0)


def _srctok_tc(pos_f, tok_f):
    return pl.pallas_call(
        _srctok_body,
        grid=(NP // 1024,),
        in_specs=[
            pl.BlockSpec((K * T, 1), lambda i: (0, 0)),
            pl.BlockSpec((1, K * T), lambda i: (0, 0)),
        ],
        out_specs=pl.BlockSpec((8, 128), lambda i: (i, 0)),
        out_shape=jax.ShapeDtypeStruct((NP // 128, 128), jnp.float32),
    )(pos_f, tok_f)



def _moe_body(be_ref, x_ref, wgu_ref, wd_ref, y_ref):
    del be_ref
    gu = _dotT(x_ref[...], wgu_ref[0])
    g = gu[:, :MI]
    u = gu[:, MI:]
    hh = g * lax.logistic(g) * u
    y_ref[...] = _dotT(hh, wd_ref[0])


def _moe_matmul(block_e, x_pad, w_gate_up, w_down):
    grid_spec = pltpu.PrefetchScalarGridSpec(
        num_scalar_prefetch=1,
        grid=(NBLK,),
        in_specs=[
            pl.BlockSpec((BM, D), lambda i, be: (i, 0)),
            pl.BlockSpec((1, 2 * MI, D), lambda i, be: (be[i], 0, 0)),
            pl.BlockSpec((1, D, MI), lambda i, be: (be[i], 0, 0)),
        ],
        out_specs=pl.BlockSpec((BM, D), lambda i, be: (i, 0)),
    )
    return pl.pallas_call(
        _moe_body,
        grid_spec=grid_spec,
        out_shape=jax.ShapeDtypeStruct((NP, D), jnp.float32),
    )(block_e, x_pad, w_gate_up, w_down)



def _final_body(x_ref, guw_ref, dw_ref, sgw_ref, c1_ref, c2_ref, w_ref, o_ref):
    x = x_ref[...]
    sgu = _dotT(x, guw_ref[...])
    g = sgu[:, :SI]
    u = sgu[:, SI:]
    sh = g * lax.logistic(g) * u
    shared = _dotT(sh, dw_ref[...])
    sg = lax.logistic(_dotT(x, sgw_ref[...]))
    w = w_ref[...]
    o_ref[...] = (sg * shared
                  + w[:, 0:1] * c1_ref[...]
                  + w[:, 1:2] * c2_ref[...])


def _final(x2, shared_gate_up, shared_down, shared_gate_w, comb, w_pad):
    return pl.pallas_call(
        _final_body,
        grid=(T // BT,),
        in_specs=[
            pl.BlockSpec((BT, D), lambda i: (i, 0)),
            pl.BlockSpec((2 * SI, D), lambda i: (0, 0)),
            pl.BlockSpec((D, SI), lambda i: (0, 0)),
            pl.BlockSpec((1, D), lambda i: (0, 0)),
            pl.BlockSpec((BT, D), lambda i: (i, 0)),
            pl.BlockSpec((BT, D), lambda i: (i + T // BT, 0)),
            pl.BlockSpec((BT, 128), lambda i: (i, 0)),
        ],
        out_specs=pl.BlockSpec((BT, D), lambda i: (i, 0)),
        out_shape=jax.ShapeDtypeStruct((T, D), jnp.float32),
    )(x2, shared_gate_up, shared_down, shared_gate_w, comb, comb, w_pad)



def kernel(positions, hidden_states, residual, input_ln_w, qkv_w, qkv_b, o_w,
           post_ln_w, gate_w, w_gate_up, w_down, shared_gate_up, shared_down,
           shared_gate_w):
    half = HD // 2
    inv = 1.0 / (10000.0 ** (jnp.arange(half, dtype=jnp.float32) / half))
    fr = positions.astype(jnp.float32)[:, None] * inv[None, :]
    cos = jnp.cos(fr)
    sin = jnp.sin(fr)

    res1, qkv = _pre_attn(hidden_states, residual, input_ln_w, qkv_w, qkv_b)
    q3 = qkv[:, :NH * HD].reshape(T, NH, HD).transpose(1, 0, 2)
    k3 = qkv[:, NH * HD:(NH + NKV) * HD].reshape(T, NKV, HD).transpose(1, 0, 2)
    v3 = qkv[:, (NH + NKV) * HD:].reshape(T, NKV, HD).transpose(1, 0, 2)
    attn_o3 = _attention(q3, k3, v3, cos, sin)
    attn_o = attn_o3.transpose(1, 0, 2).reshape(T, NH * HD)
    res2, x2, wd = _post_attn(attn_o, o_w, res1, post_ln_w, gate_w)

    iota_e = jnp.arange(E, dtype=jnp.int32)[None, :]
    chosen = wd > 0.0
    e1 = jnp.min(jnp.where(chosen, iota_e, E), axis=1)
    e2 = jnp.max(jnp.where(chosen, iota_e, -1), axis=1)
    w1 = jnp.sum(jnp.where(iota_e == e1[:, None], wd, 0.0), axis=1)
    w2 = jnp.sum(jnp.where(iota_e == e2[:, None], wd, 0.0), axis=1)
    flat_e = jnp.stack([e1, e2], axis=1).reshape(-1)
    oh = (flat_e[:, None] == iota_e).astype(jnp.int32)
    counts = jnp.sum(oh, axis=0)
    rank = jnp.cumsum(oh, axis=0) - 1
    rank_p = jnp.sum(rank * oh, axis=1)
    nblk = (counts + BM - 1) // BM
    pstart = (jnp.concatenate([jnp.zeros((1,), jnp.int32),
                               jnp.cumsum(nblk)[:-1].astype(jnp.int32)])
              * BM)
    pstart_p = jnp.sum(pstart[None, :] * oh, axis=1)
    pos = pstart_p + rank_p
    boff = jnp.arange(NBLK, dtype=jnp.int32) * BM
    block_e = (jnp.sum((boff[:, None] >= pstart[None, :]).astype(jnp.int32),
                       axis=1) - 1).astype(jnp.int32)

    tok_f = (jnp.arange(T * K, dtype=jnp.float32) // K).reshape(1, T * K)
    src_tok = _srctok_tc(pos.astype(jnp.float32).reshape(T * K, 1), tok_f)
    src_tok = src_tok.reshape(NP).astype(jnp.int32)
    x_pad = _sc_gather(x2, src_tok, NP, chunk=96)
    y_pad = _moe_matmul(block_e, x_pad, w_gate_up, w_down)

    pos_pair = pos.reshape(T, K)
    idx_all = jnp.concatenate([pos_pair[:, 0], pos_pair[:, 1]])
    comb = _sc_gather(y_pad, idx_all, K * T, chunk=128)

    w_pad = jnp.pad(jnp.stack([w1, w2], axis=1), ((0, 0), (0, 128 - K)))
    out = _final(x2, shared_gate_up, shared_down,
                 shared_gate_w.reshape(1, D), comb, w_pad)
    return out, res2

# --- scband reference (transcript-rebuilt; emitter-appended) ---
"""Pipeline reference for scband-qwen2-moe-decoder-layer-4054449127764 (READ-ONLY COPY).

The authoritative reference and input builder live on the scoring server;
editing this copy changes nothing except your own understanding.
"""

import jax, jax.numpy as jnp
import numpy as np

T = 2048; D = 768; NH = 12; NKV = 4; HD = 64; E = 16; K = 2; MI = 384; SI = 1024; EPS = 1e-6


def setup_inputs(seed: int = 0):
    key = jax.random.key(seed)
    ks = list(jax.random.split(key, 12))
    s = 0.02
    return {
        'positions': jnp.arange(T),
        'hidden_states': jax.random.normal(ks[0], (T, D), jnp.float32),
        'residual': jax.random.normal(ks[1], (T, D), jnp.float32),
        'input_ln_w': jnp.ones((D,), jnp.float32),
        'qkv_w': jax.random.normal(ks[2], ((NH + 2 * NKV) * HD, D), jnp.float32) * s,
        'qkv_b': jax.random.normal(ks[3], ((NH + 2 * NKV) * HD,), jnp.float32) * s,
        'o_w': jax.random.normal(ks[4], (D, NH * HD), jnp.float32) * s,
        'post_ln_w': jnp.ones((D,), jnp.float32),
        'gate_w': jax.random.normal(ks[5], (E, D), jnp.float32) * s,
        'w_gate_up': jax.random.normal(ks[6], (E, 2 * MI, D), jnp.float32) * s,
        'w_down': jax.random.normal(ks[7], (E, D, MI), jnp.float32) * s,
        'shared_gate_up': jax.random.normal(ks[8], (2 * SI, D), jnp.float32) * s,
        'shared_down': jax.random.normal(ks[9], (D, SI), jnp.float32) * s,
        'shared_gate_w': jax.random.normal(ks[10], (1, D), jnp.float32) * s,
    }


def rmsnorm(x, w):
    return x * jax.lax.rsqrt(jnp.mean(x * x, axis=-1, keepdims=True) + EPS) * w


def rope(x, positions):
    half = HD // 2
    inv = 1.0 / (10000.0 ** (jnp.arange(half, dtype=jnp.float32) / half))
    fr = positions.astype(jnp.float32)[:, None] * inv[None, :]
    cos = jnp.cos(fr)[:, None, :]
    sin = jnp.sin(fr)[:, None, :]
    x1, x2 = x[..., :half], x[..., half:]
    return jnp.concatenate([x1 * cos - x2 * sin, x2 * cos + x1 * sin], axis=-1)


def _forward(hidden_states, residual, input_ln_w, qkv_w, qkv_b, o_w, post_ln_w, gate_w, w_gate_up, w_down, shared_gate_up, shared_down, shared_gate_w, positions):
    # fused add + RMSNorm (vLLM RMSNorm with residual)
    x = hidden_states + residual
    residual = x
    x = rmsnorm(x, input_ln_w)
    # attention
    qkv = x @ qkv_w.T + qkv_b
    q = qkv[:, :NH * HD].reshape(T, NH, HD)
    k = qkv[:, NH * HD:NH * HD + NKV * HD].reshape(T, NKV, HD)
    v = qkv[:, NH * HD + NKV * HD:].reshape(T, NKV, HD)
    q = rope(q, positions)
    k = rope(k, positions)
    rep = NH // NKV
    k = jnp.repeat(k, rep, axis=1)
    v = jnp.repeat(v, rep, axis=1)
    scores = jnp.einsum('thd,shd->hts', q, k) * (HD ** -0.5)
    mask = jnp.tril(jnp.ones((T, T), bool))
    scores = jnp.where(mask[None, :, :], scores, -1e9)
    attn = jax.nn.softmax(scores, axis=-1)
    o = jnp.einsum('hts,shd->thd', attn, v).reshape(T, NH * HD)
    attn_out = o @ o_w.T
    # fused add + RMSNorm
    x = attn_out + residual
    residual = x
    x = rmsnorm(x, post_ln_w)
    # sparse MoE block
    logits = x @ gate_w.T
    probs = jax.nn.softmax(logits, axis=-1)
    topv, topi = jax.lax.top_k(probs, K)
    topv = topv / jnp.sum(topv, axis=-1, keepdims=True)  # norm_topk_prob
    W = jnp.zeros((T, E), jnp.float32).at[jnp.arange(T)[:, None], topi].add(topv)
    acc = jnp.zeros((T, D), jnp.float32)
    for e in range(E):
        gu = x @ w_gate_up[e].T
        h = jax.nn.silu(gu[:, :MI]) * gu[:, MI:]
        acc = acc + W[:, e:e + 1] * (h @ w_down[e].T)
    # shared expert with sigmoid gate
    sgu = x @ shared_gate_up.T
    sh = jax.nn.silu(sgu[:, :SI]) * sgu[:, SI:]
    shared = sh @ shared_down.T
    shared = jax.nn.sigmoid(x @ shared_gate_w.T) * shared
    out = acc + shared
    return out, residual


def reference(positions, hidden_states, residual, input_ln_w, qkv_w, qkv_b, o_w, post_ln_w, gate_w, w_gate_up, w_down, shared_gate_up, shared_down, shared_gate_w):
    return _forward(hidden_states, residual, input_ln_w, qkv_w, qkv_b, o_w, post_ln_w, gate_w, w_gate_up, w_down, shared_gate_up, shared_down, shared_gate_w, positions)

if __name__ == "__main__":
    import jax
    _d = setup_inputs()
    print(jax.jit(kernel)(*tuple(_d.values())))

</pallas_src>

<mosaic_0001>
#map = affine_map<(d0, d1) -> (0, 0)>
#map1 = affine_map<(d0, d1) -> (0)>
module attributes {stable_mosaic.version = 14 : i64} {
  func.func @k(%arg0: i32, %arg1: i32, %arg2: memref<2048x768xf32, #tpu.memory_space<hbm>>, %arg3: memref<6144xi32, #tpu.memory_space<hbm>>, %arg4: memref<6144x768xf32, #tpu.memory_space<hbm>>, %arg5: memref<96xi32, #tpu.memory_space<vmem>>, %arg6: memref<96x768xf32, #tpu.memory_space<vmem>>, %arg7: memref<!tpu.dma_semaphore, #tpu.memory_space<semaphore_mem>>) attributes {dimension_semantics = [#tpu.dimension_semantics<core_parallel>, #tpu.dimension_semantics<subcore_parallel>], iteration_bounds = array<i64: 2, 16>, scalar_prefetch = 0 : i64, scratch_operands = 3 : i64, tpu.core_type = #tpu.core_type<sc_vector_subcore>, window_params = [{transform_indices = #map}, {transform_indices = #map1}, {transform_indices = #map}]} {
    %mul3A = arith.constant 2 : i32
    %mul3A_0 = arith.muli %arg1, %mul3A : i32
    %add3A = arith.addi %mul3A_0, %arg0 : i32
    %mul3A_1 = arith.constant 192 : i32
    %mul3A_2 = arith.muli %add3A, %mul3A_1 : i32
    %add3A_3 = arith.constant 0 : i32
    %add3A_4 = arith.addi %mul3A_2, %add3A_3 : i32
    "tpu.region"() ({
      %run_scoped3A = tpu.sem_alloc : memref<!tpu.dma_semaphore, #tpu.memory_space<semaphore_mem>>
      %dma_start3A_19 = tpu.memref_slice %arg3[%add3A_4] : memref<6144xi32, #tpu.memory_space<hbm>> -> memref<96xi32, #tpu.memory_space<hbm>>
      %dma_start3A_20 = tpu.memref_slice %arg3[%add3A_4] : memref<6144xi32, #tpu.memory_space<hbm>> -> memref<96xi32, #tpu.memory_space<hbm>>
      tpu.enqueue_dma source(%dma_start3A_20 : memref<96xi32, #tpu.memory_space<hbm>>) target(%arg5 : memref<96xi32, #tpu.memory_space<vmem>>) target_semaphore(%run_scoped3A : memref<!tpu.dma_semaphore, #tpu.memory_space<semaphore_mem>>)
      %dma_wait3A_21 = tpu.memref_slice %arg3[%add3A_4] : memref<6144xi32, #tpu.memory_space<hbm>> -> memref<96xi32, #tpu.memory_space<hbm>>
      %dma_wait3A_22 = tpu.memref_slice %arg3[%add3A_4] : memref<6144xi32, #tpu.memory_space<hbm>> -> memref<96xi32, #tpu.memory_space<hbm>>
      tpu.wait_dma2 semaphore(%run_scoped3A : memref<!tpu.dma_semaphore, #tpu.memory_space<semaphore_mem>>) src(%dma_wait3A_22 : memref<96xi32, #tpu.memory_space<hbm>>) dst(%arg5 : memref<96xi32, #tpu.memory_space<vmem>>)
      tpu.yield
    }) : () -> ()
    %dma_start3A = arith.constant 0 : i32
    %dma_start3A_5 = arith.constant 0 : i32
    %dma_start3A_6 = tpu.memref_slice %arg2[%dma_start3A, %dma_start3A_5] : memref<2048x768xf32, #tpu.memory_space<hbm>> -> memref<2048x768xf32, #tpu.memory_space<hbm>>
    tpu.enqueue_indirect_dma source(%dma_start3A_6 : memref<2048x768xf32, #tpu.memory_space<hbm>>) target(%arg6 : memref<96x768xf32, #tpu.memory_space<vmem>>) offsets(%arg5 : memref<96xi32, #tpu.memory_space<vmem>>) semaphore(%arg7 : memref<!tpu.dma_semaphore, #tpu.memory_space<semaphore_mem>>)
    %dma_wait3A = arith.constant 0 : i32
    %dma_wait3A_7 = arith.constant 0 : i32
    %dma_wait3A_8 = tpu.memref_slice %arg2[%dma_wait3A, %dma_wait3A_7] : memref<2048x768xf32, #tpu.memory_space<hbm>> -> memref<2048x768xf32, #tpu.memory_space<hbm>>
    tpu.wait_indirect_dma semaphore(%arg7 : memref<!tpu.dma_semaphore, #tpu.memory_space<semaphore_mem>>) src(%dma_wait3A_8 : memref<2048x768xf32, #tpu.memory_space<hbm>>) dst(%arg6 : memref<96x768xf32, #tpu.memory_space<vmem>>)
    "tpu.region"() ({
      %run_scoped3A = tpu.sem_alloc : memref<!tpu.dma_semaphore, #tpu.memory_space<semaphore_mem>>
      %dma_start3A_19 = arith.constant 0 : i32
      %dma_start3A_20 = tpu.memref_slice %arg4[%add3A_4, %dma_start3A_19] : memref<6144x768xf32, #tpu.memory_space<hbm>> -> memref<96x768xf32, #tpu.memory_space<hbm>>
      %dma_start3A_21 = arith.constant 0 : i32
      %dma_start3A_22 = tpu.memref_slice %arg4[%add3A_4, %dma_start3A_21] : memref<6144x768xf32, #tpu.memory_space<hbm>> -> memref<96x768xf32, #tpu.memory_space<hbm>>
      tpu.enqueue_dma source(%arg6 : memref<96x768xf32, #tpu.memory_space<vmem>>) target(%dma_start3A_22 : memref<96x768xf32, #tpu.memory_space<hbm>>) target_semaphore(%run_scoped3A : memref<!tpu.dma_semaphore, #tpu.memory_space<semaphore_mem>>)
      %dma_wait3A_23 = arith.constant 0 : i32
      %dma_wait3A_24 = tpu.memref_slice %arg4[%add3A_4, %dma_wait3A_23] : memref<6144x768xf32, #tpu.memory_space<hbm>> -> memref<96x768xf32, #tpu.memory_space<hbm>>
      %dma_wait3A_25 = arith.constant 0 : i32
      %dma_wait3A_26 = tpu.memref_slice %arg4[%add3A_4, %dma_wait3A_25] : memref<6144x768xf32, #tpu.memory_space<hbm>> -> memref<96x768xf32, #tpu.memory_space<hbm>>
      tpu.wait_dma2 semaphore(%run_scoped3A : memref<!tpu.dma_semaphore, #tpu.memory_space<semaphore_mem>>) src(%arg6 : memref<96x768xf32, #tpu.memory_space<vmem>>) dst(%dma_wait3A_26 : memref<96x768xf32, #tpu.memory_space<hbm>>)
      tpu.yield
    }) : () -> ()
    %mul3A_9 = arith.constant 192 : i32
    %mul3A_10 = arith.muli %add3A, %mul3A_9 : i32
    %add3A_11 = arith.constant 96 : i32
    %add3A_12 = arith.addi %mul3A_10, %add3A_11 : i32
    "tpu.region"() ({
      %run_scoped3A = tpu.sem_alloc : memref<!tpu.dma_semaphore, #tpu.memory_space<semaphore_mem>>
      %dma_start3A_19 = tpu.memref_slice %arg3[%add3A_12] : memref<6144xi32, #tpu.memory_space<hbm>> -> memref<96xi32, #tpu.memory_space<hbm>>
      %dma_start3A_20 = tpu.memref_slice %arg3[%add3A_12] : memref<6144xi32, #tpu.memory_space<hbm>> -> memref<96xi32, #tpu.memory_space<hbm>>
      tpu.enqueue_dma source(%dma_start3A_20 : memref<96xi32, #tpu.memory_space<hbm>>) target(%arg5 : memref<96xi32, #tpu.memory_space<vmem>>) target_semaphore(%run_scoped3A : memref<!tpu.dma_semaphore, #tpu.memory_space<semaphore_mem>>)
      %dma_wait3A_21 = tpu.memref_slice %arg3[%add3A_12] : memref<6144xi32, #tpu.memory_space<hbm>> -> memref<96xi32, #tpu.memory_space<hbm>>
      %dma_wait3A_22 = tpu.memref_slice %arg3[%add3A_12] : memref<6144xi32, #tpu.memory_space<hbm>> -> memref<96xi32, #tpu.memory_space<hbm>>
      tpu.wait_dma2 semaphore(%run_scoped3A : memref<!tpu.dma_semaphore, #tpu.memory_space<semaphore_mem>>) src(%dma_wait3A_22 : memref<96xi32, #tpu.memory_space<hbm>>) dst(%arg5 : memref<96xi32, #tpu.memory_space<vmem>>)
      tpu.yield
    }) : () -> ()
    %dma_start3A_13 = arith.constant 0 : i32
    %dma_start3A_14 = arith.constant 0 : i32
    %dma_start3A_15 = tpu.memref_slice %arg2[%dma_start3A_13, %dma_start3A_14] : memref<2048x768xf32, #tpu.memory_space<hbm>> -> memref<2048x768xf32, #tpu.memory_space<hbm>>
    tpu.enqueue_indirect_dma source(%dma_start3A_15 : memref<2048x768xf32, #tpu.memory_space<hbm>>) target(%arg6 : memref<96x768xf32, #tpu.memory_space<vmem>>) offsets(%arg5 : memref<96xi32, #tpu.memory_space<vmem>>) semaphore(%arg7 : memref<!tpu.dma_semaphore, #tpu.memory_space<semaphore_mem>>)
    %dma_wait3A_16 = arith.constant 0 : i32
    %dma_wait3A_17 = arith.constant 0 : i32
    %dma_wait3A_18 = tpu.memref_slice %arg2[%dma_wait3A_16, %dma_wait3A_17] : memref<2048x768xf32, #tpu.memory_space<hbm>> -> memref<2048x768xf32, #tpu.memory_space<hbm>>
    tpu.wait_indirect_dma semaphore(%arg7 : memref<!tpu.dma_semaphore, #tpu.memory_space<semaphore_mem>>) src(%dma_wait3A_18 : memref<2048x768xf32, #tpu.memory_space<hbm>>) dst(%arg6 : memref<96x768xf32, #tpu.memory_space<vmem>>)
    "tpu.region"() ({
      %run_scoped3A = tpu.sem_alloc : memref<!tpu.dma_semaphore, #tpu.memory_space<semaphore_mem>>
      %dma_start3A_19 = arith.constant 0 : i32
      %dma_start3A_20 = tpu.memref_slice %arg4[%add3A_12, %dma_start3A_19] : memref<6144x768xf32, #tpu.memory_space<hbm>> -> memref<96x768xf32, #tpu.memory_space<hbm>>
      %dma_start3A_21 = arith.constant 0 : i32
      %dma_start3A_22 = tpu.memref_slice %arg4[%add3A_12, %dma_start3A_21] : memref<6144x768xf32, #tpu.memory_space<hbm>> -> memref<96x768xf32, #tpu.memory_space<hbm>>
      tpu.enqueue_dma source(%arg6 : memref<96x768xf32, #tpu.memory_space<vmem>>) target(%dma_start3A_22 : memref<96x768xf32, #tpu.memory_space<hbm>>) target_semaphore(%run_scoped3A : memref<!tpu.dma_semaphore, #tpu.memory_space<semaphore_mem>>)
      %dma_wait3A_23 = arith.constant 0 : i32
      %dma_wait3A_24 = tpu.memref_slice %arg4[%add3A_12, %dma_wait3A_23] : memref<6144x768xf32, #tpu.memory_space<hbm>> -> memref<96x768xf32, #tpu.memory_space<hbm>>
      %dma_wait3A_25 = arith.constant 0 : i32
      %dma_wait3A_26 = tpu.memref_slice %arg4[%add3A_12, %dma_wait3A_25] : memref<6144x768xf32, #tpu.memory_space<hbm>> -> memref<96x768xf32, #tpu.memory_space<hbm>>
      tpu.wait_dma2 semaphore(%run_scoped3A : memref<!tpu.dma_semaphore, #tpu.memory_space<semaphore_mem>>) src(%arg6 : memref<96x768xf32, #tpu.memory_space<vmem>>) dst(%dma_wait3A_26 : memref<96x768xf32, #tpu.memory_space<hbm>>)
      tpu.yield
    }) : () -> ()
    return
  }
}

#map = affine_map<(d0, d1) -> (0, 0)>
#map1 = affine_map<(d0, d1) -> (0)>
module attributes {stable_mosaic.version = 14 : i64} {
  func.func @k(%arg0: i32, %arg1: i32, %arg2: memref<6144x768xf32, #tpu.memory_space<hbm>>, %arg3: memref<4096xi32, #tpu.memory_space<hbm>>, %arg4: memref<4096x768xf32, #tpu.memory_space<hbm>>, %arg5: memref<128xi32, #tpu.memory_space<vmem>>, %arg6: memref<128x768xf32, #tpu.memory_space<vmem>>, %arg7: memref<!tpu.dma_semaphore, #tpu.memory_space<semaphore_mem>>) attributes {dimension_semantics = [#tpu.dimension_semantics<core_parallel>, #tpu.dimension_semantics<subcore_parallel>], iteration_bounds = array<i64: 2, 16>, scalar_prefetch = 0 : i64, scratch_operands = 3 : i64, tpu.core_type = #tpu.core_type<sc_vector_subcore>, window_params = [{transform_indices = #map}, {transform_indices = #map1}, {transform_indices = #map}]} {
    %mul3A = arith.constant 2 : i32
    %mul3A_0 = arith.muli %arg1, %mul3A : i32
    %add3A = arith.addi %mul3A_0, %arg0 : i32
    %mul3A_1 = arith.constant 128 : i32
    %mul3A_2 = arith.muli %add3A, %mul3A_1 : i32
    %add3A_3 = arith.constant 0 : i32
    %add3A_4 = arith.addi %mul3A_2, %add3A_3 : i32
    "tpu.region"() ({
      %run_scoped3A = tpu.sem_alloc : memref<!tpu.dma_semaphore, #tpu.memory_space<semaphore_mem>>
      %dma_start3A_9 = tpu.memref_slice %arg3[%add3A_4] : memref<4096xi32, #tpu.memory_space<hbm>> -> memref<128xi32, #tpu.memory_space<hbm>>
      %dma_start3A_10 = tpu.memref_slice %arg3[%add3A_4] : memref<4096xi32, #tpu.memory_space<hbm>> -> memref<128xi32, #tpu.memory_space<hbm>>
      tpu.enqueue_dma source(%dma_start3A_10 : memref<128xi32, #tpu.memory_space<hbm>>) target(%arg5 : memref<128xi32, #tpu.memory_space<vmem>>) target_semaphore(%run_scoped3A : memref<!tpu.dma_semaphore, #tpu.memory_space<semaphore_mem>>)
      %dma_wait3A_11 = tpu.memref_slice %arg3[%add3A_4] : memref<4096xi32, #tpu.memory_space<hbm>> -> memref<128xi32, #tpu.memory_space<hbm>>
      %dma_wait3A_12 = tpu.memref_slice %arg3[%add3A_4] : memref<4096xi32, #tpu.memory_space<hbm>> -> memref<128xi32, #tpu.memory_space<hbm>>
      tpu.wait_dma2 semaphore(%run_scoped3A : memref<!tpu.dma_semaphore, #tpu.memory_space<semaphore_mem>>) src(%dma_wait3A_12 : memref<128xi32, #tpu.memory_space<hbm>>) dst(%arg5 : memref<128xi32, #tpu.memory_space<vmem>>)
      tpu.yield
    }) : () -> ()
    %dma_start3A = arith.constant 0 : i32
    %dma_start3A_5 = arith.constant 0 : i32
    %dma_start3A_6 = tpu.memref_slice %arg2[%dma_start3A, %dma_start3A_5] : memref<6144x768xf32, #tpu.memory_space<hbm>> -> memref<6144x768xf32, #tpu.memory_space<hbm>>
    tpu.enqueue_indirect_dma source(%dma_start3A_6 : memref<6144x768xf32, #tpu.memory_space<hbm>>) target(%arg6 : memref<128x768xf32, #tpu.memory_space<vmem>>) offsets(%arg5 : memref<128xi32, #tpu.memory_space<vmem>>) semaphore(%arg7 : memref<!tpu.dma_semaphore, #tpu.memory_space<semaphore_mem>>)
    %dma_wait3A = arith.constant 0 : i32
    %dma_wait3A_7 = arith.constant 0 : i32
    %dma_wait3A_8 = tpu.memref_slice %arg2[%dma_wait3A, %dma_wait3A_7] : memref<6144x768xf32, #tpu.memory_space<hbm>> -> memref<6144x768xf32, #tpu.memory_space<hbm>>
    tpu.wait_indirect_dma semaphore(%arg7 : memref<!tpu.dma_semaphore, #tpu.memory_space<semaphore_mem>>) src(%dma_wait3A_8 : memref<6144x768xf32, #tpu.memory_space<hbm>>) dst(%arg6 : memref<128x768xf32, #tpu.memory_space<vmem>>)
    "tpu.region"() ({
      %run_scoped3A = tpu.sem_alloc : memref<!tpu.dma_semaphore, #tpu.memory_space<semaphore_mem>>
      %dma_start3A_9 = arith.constant 0 : i32
      %dma_start3A_10 = tpu.memref_slice %arg4[%add3A_4, %dma_start3A_9] : memref<4096x768xf32, #tpu.memory_space<hbm>> -> memref<128x768xf32, #tpu.memory_space<hbm>>
      %dma_start3A_11 = arith.constant 0 : i32
      %dma_start3A_12 = tpu.memref_slice %arg4[%add3A_4, %dma_start3A_11] : memref<4096x768xf32, #tpu.memory_space<hbm>> -> memref<128x768xf32, #tpu.memory_space<hbm>>
      tpu.enqueue_dma source(%arg6 : memref<128x768xf32, #tpu.memory_space<vmem>>) target(%dma_start3A_12 : memref<128x768xf32, #tpu.memory_space<hbm>>) target_semaphore(%run_scoped3A : memref<!tpu.dma_semaphore, #tpu.memory_space<semaphore_mem>>)
      %dma_wait3A_13 = arith.constant 0 : i32
      %dma_wait3A_14 = tpu.memref_slice %arg4[%add3A_4, %dma_wait3A_13] : memref<4096x768xf32, #tpu.memory_space<hbm>> -> memref<128x768xf32, #tpu.memory_space<hbm>>
      %dma_wait3A_15 = arith.constant 0 : i32
      %dma_wait3A_16 = tpu.memref_slice %arg4[%add3A_4, %dma_wait3A_15] : memref<4096x768xf32, #tpu.memory_space<hbm>> -> memref<128x768xf32, #tpu.memory_space<hbm>>
      tpu.wait_dma2 semaphore(%run_scoped3A : memref<!tpu.dma_semaphore, #tpu.memory_space<semaphore_mem>>) src(%arg6 : memref<128x768xf32, #tpu.memory_space<vmem>>) dst(%dma_wait3A_16 : memref<128x768xf32, #tpu.memory_space<hbm>>)
      tpu.yield
    }) : () -> ()
    return
  }
}

module attributes {stable_mosaic.version = 14 : i64} {
  func.func @_pre_attn_body(%arg0: i32, %arg1: memref<256x768xf32, #tpu.memory_space<vmem>>, %arg2: memref<256x768xf32, #tpu.memory_space<vmem>>, %arg3: memref<1x768xf32, #tpu.memory_space<vmem>>, %arg4: memref<1280x768xf32, #tpu.memory_space<vmem>>, %arg5: memref<1x1280xf32, #tpu.memory_space<vmem>>, %arg6: memref<256x768xf32, #tpu.memory_space<vmem>>, %arg7: memref<256x1280xf32, #tpu.memory_space<vmem>>) attributes {dimension_semantics = [#tpu.dimension_semantics<arbitrary>], iteration_bounds = array<i64: 8>, scalar_prefetch = 0 : i64, scratch_operands = 0 : i64, tpu.core_type = #tpu.core_type<tc>, window_params = [{transform_indices = @transform_0, window_bounds = array<i64: 256, 768>}, {transform_indices = @transform_1, window_bounds = array<i64: 256, 768>}, {pipeline_mode = #tpu.pipeline_mode<synchronous>, transform_indices = @transform_2, window_bounds = array<i64: 1, 768>}, {pipeline_mode = #tpu.pipeline_mode<synchronous>, transform_indices = @transform_3, window_bounds = array<i64: 1280, 768>}, {pipeline_mode = #tpu.pipeline_mode<synchronous>, transform_indices = @transform_4, window_bounds = array<i64: 1, 1280>}, {transform_indices = @transform_5, window_bounds = array<i64: 256, 768>}, {transform_indices = @transform_6, window_bounds = array<i64: 256, 1280>}]} {
    %get3A = arith.constant 0 : index
    %get3A_0 = arith.constant 0 : index
    %get3A_1 = vector.load %arg1[%get3A, %get3A_0] : memref<256x768xf32, #tpu.memory_space<vmem>>, vector<256x768xf32>
    %get3A_2 = arith.constant 0 : index
    %get3A_3 = arith.constant 0 : index
    %get3A_4 = vector.load %arg2[%get3A_2, %get3A_3] : memref<256x768xf32, #tpu.memory_space<vmem>>, vector<256x768xf32>
    %add3A = arith.addf %get3A_1, %get3A_4 : vector<256x768xf32>
    %swap3A = arith.constant 0 : index
    %swap3A_5 = arith.constant 0 : index
    %swap3A_6 = vector.load %arg6[%swap3A, %swap3A_5] : memref<256x768xf32, #tpu.memory_space<vmem>>, vector<256x768xf32>
    tpu.vector_store %arg6[%swap3A, %swap3A_5], %add3A {strides = array<i32>} : memref<256x768xf32, #tpu.memory_space<vmem>>, vector<256x768xf32>,
    %get3A_7 = arith.constant 0 : index
    %get3A_8 = arith.constant 0 : index
    %get3A_9 = vector.load %arg3[%get3A_7, %get3A_8] : memref<1x768xf32, #tpu.memory_space<vmem>>, vector<1x768xf32>
    %mul3A = arith.mulf %add3A, %add3A : vector<256x768xf32>
    %reduce_sum3A = arith.constant dense<0.000000e+00> : vector<256xf32>
    %reduce_sum3A_10 = vector.multi_reduction <add>, %mul3A, %reduce_sum3A [1] : vector<256x768xf32> to vector<256xf32>
    %broadcast_in_dim3A = vector.shape_cast %reduce_sum3A_10 : vector<256xf32> to vector<256x1xf32>
    %div3A = arith.constant 7.680000e+02 : f32
    %div3A_11 = vector.broadcast %div3A : f32 to vector<256x1xf32>
    %div3A_12 = arith.divf %broadcast_in_dim3A, %div3A_11 : vector<256x1xf32>
    %add3A_13 = arith.constant 9.99999997E-7 : f32
    %add3A_14 = vector.broadcast %add3A_13 : f32 to vector<256x1xf32>
    %add3A_15 = arith.addf %div3A_12, %add3A_14 : vector<256x1xf32>
    %rsqrt3A = math.rsqrt %add3A_15 : vector<256x1xf32>
    %mul3A_16 = vector.broadcast %rsqrt3A : vector<256x1xf32> to vector<256x768xf32>
    %mul3A_17 = arith.mulf %add3A, %mul3A_16 : vector<256x768xf32>
    %mul3A_18 = vector.broadcast %get3A_9 : vector<1x768xf32> to vector<256x768xf32>
    %mul3A_19 = arith.mulf %mul3A_17, %mul3A_18 : vector<256x768xf32>
    %get3A_20 = arith.constant 0 : index
    %get3A_21 = arith.constant 0 : index
    %get3A_22 = vector.load %arg4[%get3A_20, %get3A_21] : memref<1280x768xf32, #tpu.memory_space<vmem>>, vector<1280x768xf32>
    %dot_general3A = arith.constant dense<0.000000e+00> : vector<256x1280xf32>
    %dot_general3A_23 = tpu.matmul %mul3A_19, %get3A_22, %dot_general3A {dimension_numbers = #tpu.dot_dimension_numbers<[1], [1], [0], [0], [0, 0, 1, 0], [], []>, transpose_lhs_hint = false} : vector<256x768xf32>, vector<1280x768xf32>, vector<256x1280xf32> -> vector<256x1280xf32>
    %get3A_24 = arith.constant 0 : index
    %get3A_25 = arith.constant 0 : index
    %get3A_26 = vector.load %arg5[%get3A_24, %get3A_25] : memref<1x1280xf32, #tpu.memory_space<vmem>>, vector<1x1280xf32>
    %add3A_27 = vector.broadcast %get3A_26 : vector<1x1280xf32> to vector<256x1280xf32>
    %add3A_28 = arith.addf %dot_general3A_23, %add3A_27 : vector<256x1280xf32>
    %swap3A_29 = arith.constant 0 : index
    %swap3A_30 = arith.constant 0 : index
    %swap3A_31 = vector.load %arg7[%swap3A_29, %swap3A_30] : memref<256x1280xf32, #tpu.memory_space<vmem>>, vector<256x1280xf32>
    tpu.vector_store %arg7[%swap3A_29, %swap3A_30], %add3A_28 {strides = array<i32>} : memref<256x1280xf32, #tpu.memory_space<vmem>>, vector<256x1280xf32>,
    return
  }
  func.func @transform_0(%arg0: i32) -> (i32, i32) {
    %c0_i32 = arith.constant 0 : i32
    %c0_i32_0 = arith.constant 0 : i32
    return %arg0, %c0_i32 : i32, i32
  }
  func.func @transform_1(%arg0: i32) -> (i32, i32) {
    %c0_i32 = arith.constant 0 : i32
    %c0_i32_0 = arith.constant 0 : i32
    return %arg0, %c0_i32 : i32, i32
  }
  func.func @transform_2(%arg0: i32) -> (i32, i32) {
    %c0_i32 = arith.constant 0 : i32
    %c0_i32_0 = arith.constant 0 : i32
    %c0_i32_1 = arith.constant 0 : i32
    return %c0_i32, %c0_i32_0 : i32, i32
  }
  func.func @transform_3(%arg0: i32) -> (i32, i32) {
    %c0_i32 = arith.constant 0 : i32
    %c0_i32_0 = arith.constant 0 : i32
    %c0_i32_1 = arith.constant 0 : i32
    return %c0_i32, %c0_i32_0 : i32, i32
  }
  func.func @transform_4(%arg0: i32) -> (i32, i32) {
    %c0_i32 = arith.constant 0 : i32
    %c0_i32_0 = arith.constant 0 : i32
    %c0_i32_1 = arith.constant 0 : i32
    return %c0_i32, %c0_i32_0 : i32, i32
  }
  func.func @transform_5(%arg0: i32) -> (i32, i32) {
    %c0_i32 = arith.constant 0 : i32
    %c0_i32_0 = arith.constant 0 : i32
    return %arg0, %c0_i32 : i32, i32
  }
  func.func @transform_6(%arg0: i32) -> (i32, i32) {
    %c0_i32 = arith.constant 0 : i32
    %c0_i32_0 = arith.constant 0 : i32
    return %arg0, %c0_i32 : i32, i32
  }
}

module attributes {stable_mosaic.version = 14 : i64} {
  func.func @_attn_body(%arg0: i32, %arg1: i32, %arg2: memref<1x256x64xf32, #tpu.memory_space<vmem>>, %arg3: memref<1x2048x64xf32, #tpu.memory_space<vmem>>, %arg4: memref<1x2048x64xf32, #tpu.memory_space<vmem>>, %arg5: memref<256x32xf32, #tpu.memory_space<vmem>>, %arg6: memref<256x32xf32, #tpu.memory_space<vmem>>, %arg7: memref<2048x32xf32, #tpu.memory_space<vmem>>, %arg8: memref<2048x32xf32, #tpu.memory_space<vmem>>, %arg9: memref<1x256x64xf32, #tpu.memory_space<vmem>>) attributes {dimension_semantics = [#tpu.dimension_semantics<arbitrary>, #tpu.dimension_semantics<arbitrary>], iteration_bounds = array<i64: 12, 8>, scalar_prefetch = 0 : i64, scratch_operands = 0 : i64, tpu.core_type = #tpu.core_type<tc>, window_params = [{transform_indices = @transform_0, window_bounds = array<i64: 1, 256, 64>}, {transform_indices = @transform_1, window_bounds = array<i64: 1, 2048, 64>}, {transform_indices = @transform_2, window_bounds = array<i64: 1, 2048, 64>}, {transform_indices = @transform_3, window_bounds = array<i64: 256, 32>}, {transform_indices = @transform_4, window_bounds = array<i64: 256, 32>}, {pipeline_mode = #tpu.pipeline_mode<synchronous>, transform_indices = @transform_5, window_bounds = array<i64: 2048, 32>}, {pipeline_mode = #tpu.pipeline_mode<synchronous>, transform_indices = @transform_6, window_bounds = array<i64: 2048, 32>}, {transform_indices = @transform_7, window_bounds = array<i64: 1, 256, 64>}]} {
    %get3A = arith.constant 0 : index
    %get3A_0 = arith.constant 0 : index
    %get3A_1 = arith.constant 0 : index
    %get3A_2 = vector.load %arg2[%get3A, %get3A_0, %get3A_1] : memref<1x256x64xf32, #tpu.memory_space<vmem>>, vector<1x256x64xf32>
    %get3A_3 = vector.shape_cast %get3A_2 : vector<1x256x64xf32> to vector<256x64xf32>
    %get3A_4 = arith.constant 0 : index
    %get3A_5 = arith.constant 0 : index
    %get3A_6 = vector.load %arg5[%get3A_4, %get3A_5] : memref<256x32xf32, #tpu.memory_space<vmem>>, vector<256x32xf32>
    %get3A_7 = arith.constant 0 : index
    %get3A_8 = arith.constant 0 : index
    %get3A_9 = vector.load %arg6[%get3A_7, %get3A_8] : memref<256x32xf32, #tpu.memory_space<vmem>>, vector<256x32xf32>
    %slice3A = vector.extract_strided_slice %get3A_3 {offsets = [0, 0], sizes = [256, 32], strides = [1, 1]} : vector<256x64xf32> to vector<256x32xf32>
    %slice3A_10 = vector.extract_strided_slice %get3A_3 {offsets = [0, 32], sizes = [256, 32], strides = [1, 1]} : vector<256x64xf32> to vector<256x32xf32>
    %mul3A = arith.mulf %slice3A, %get3A_6 : vector<256x32xf32>
    %mul3A_11 = arith.mulf %slice3A_10, %get3A_9 : vector<256x32xf32>
    %sub3A = arith.subf %mul3A, %mul3A_11 : vector<256x32xf32>
    %mul3A_12 = arith.mulf %slice3A_10, %get3A_6 : vector<256x32xf32>
    %mul3A_13 = arith.mulf %slice3A, %get3A_9 : vector<256x32xf32>
    %add3A = arith.addf %mul3A_12, %mul3A_13 : vector<256x32xf32>
    %concatenate3A = tpu.concatenate %sub3A, %add3A in 1 : vector<256x32xf32>, vector<256x32xf32> -> vector<256x64xf32>
    %get3A_14 = arith.constant 0 : index
    %get3A_15 = arith.constant 0 : index
    %get3A_16 = arith.constant 0 : index
    %get3A_17 = vector.load %arg3[%get3A_14, %get3A_15, %get3A_16] : memref<1x2048x64xf32, #tpu.memory_space<vmem>>, vector<1x2048x64xf32>
    %get3A_18 = vector.shape_cast %get3A_17 : vector<1x2048x64xf32> to vector<2048x64xf32>
    %get3A_19 = arith.constant 0 : index
    %get3A_20 = arith.constant 0 : index
    %get3A_21 = vector.load %arg7[%get3A_19, %get3A_20] : memref<2048x32xf32, #tpu.memory_space<vmem>>, vector<2048x32xf32>
    %get3A_22 = arith.constant 0 : index
    %get3A_23 = arith.constant 0 : index
    %get3A_24 = vector.load %arg8[%get3A_22, %get3A_23] : memref<2048x32xf32, #tpu.memory_space<vmem>>, vector<2048x32xf32>
    %slice3A_25 = vector.extract_strided_slice %get3A_18 {offsets = [0, 0], sizes = [2048, 32], strides = [1, 1]} : vector<2048x64xf32> to vector<2048x32xf32>
    %slice3A_26 = vector.extract_strided_slice %get3A_18 {offsets = [0, 32], sizes = [2048, 32], strides = [1, 1]} : vector<2048x64xf32> to vector<2048x32xf32>
    %mul3A_27 = arith.mulf %slice3A_25, %get3A_21 : vector<2048x32xf32>
    %mul3A_28 = arith.mulf %slice3A_26, %get3A_24 : vector<2048x32xf32>
    %sub3A_29 = arith.subf %mul3A_27, %mul3A_28 : vector<2048x32xf32>
    %mul3A_30 = arith.mulf %slice3A_26, %get3A_21 : vector<2048x32xf32>
    %mul3A_31 = arith.mulf %slice3A_25, %get3A_24 : vector<2048x32xf32>
    %add3A_32 = arith.addf %mul3A_30, %mul3A_31 : vector<2048x32xf32>
    %concatenate3A_33 = tpu.concatenate %sub3A_29, %add3A_32 in 1 : vector<2048x32xf32>, vector<2048x32xf32> -> vector<2048x64xf32>
    %dot_general3A = arith.constant dense<0.000000e+00> : vector<256x2048xf32>
    %dot_general3A_34 = tpu.matmul %concatenate3A, %concatenate3A_33, %dot_general3A {dimension_numbers = #tpu.dot_dimension_numbers<[1], [1], [0], [0], [0, 0, 1, 0], [], []>, transpose_lhs_hint = false} : vector<256x64xf32>, vector<2048x64xf32>, vector<256x2048xf32> -> vector<256x2048xf32>
    %mul3A_35 = arith.constant 1.250000e-01 : f32
    %mul3A_36 = vector.broadcast %mul3A_35 : f32 to vector<256x2048xf32>
    %mul3A_37 = arith.mulf %dot_general3A_34, %mul3A_36 : vector<256x2048xf32>
    %mul3A_38 = arith.constant 256 : i32
    %mul3A_39 = arith.muli %arg1, %mul3A_38 : i32
    %iota3A = tpu.iota {dimensions = array<i32: 0>} : vector<256x2048xi32>
    %add3A_40 = vector.broadcast %mul3A_39 : i32 to vector<256x2048xi32>
    %add3A_41 = arith.addi %add3A_40, %iota3A : vector<256x2048xi32>
    %iota3A_42 = tpu.iota {dimensions = array<i32: 1>} : vector<256x2048xi32>
    %le3A = arith.cmpi sle, %iota3A_42, %add3A_41 : vector<256x2048xi32>
    %jit3A = arith.constant -1.000000e+09 : f32
    %broadcast_in_dim3A = vector.broadcast %jit3A : f32 to vector<256x2048xf32>
    %select_n3A = arith.select %le3A, %mul3A_37, %broadcast_in_dim3A : vector<256x2048xi1>, vector<256x2048xf32>
    %reduce_max3A = arith.constant dense<0xFF800000> : vector<256xf32>
    %reduce_max3A_43 = vector.multi_reduction <maximumf>, %select_n3A, %reduce_max3A [1] : vector<256x2048xf32> to vector<256xf32>
    %broadcast_in_dim3A_44 = vector.shape_cast %reduce_max3A_43 : vector<256xf32> to vector<256x1xf32>
    %sub3A_45 = vector.broadcast %broadcast_in_dim3A_44 : vector<256x1xf32> to vector<256x2048xf32>
    %sub3A_46 = arith.subf %select_n3A, %sub3A_45 : vector<256x2048xf32>
    %exp3A = math.exp %sub3A_46 : vector<256x2048xf32>
    %reduce_sum3A = arith.constant dense<0.000000e+00> : vector<256xf32>
    %reduce_sum3A_47 = vector.multi_reduction <add>, %exp3A, %reduce_sum3A [1] : vector<256x2048xf32> to vector<256xf32>
    %broadcast_in_dim3A_48 = vector.shape_cast %reduce_sum3A_47 : vector<256xf32> to vector<256x1xf32>
    %div3A = vector.broadcast %broadcast_in_dim3A_48 : vector<256x1xf32> to vector<256x2048xf32>
    %div3A_49 = arith.divf %exp3A, %div3A : vector<256x2048xf32>
    %get3A_50 = arith.constant 0 : index
    %get3A_51 = arith.constant 0 : index
    %get3A_52 = arith.constant 0 : index
    %get3A_53 = vector.load %arg4[%get3A_50, %get3A_51, %get3A_52] : memref<1x2048x64xf32, #tpu.memory_space<vmem>>, vector<1x2048x64xf32>
    %get3A_54 = vector.shape_cast %get3A_53 : vector<1x2048x64xf32> to vector<2048x64xf32>
    %dot_general3A_55 = arith.constant dense<0.000000e+00> : vector<256x64xf32>
    %dot_general3A_56 = tpu.matmul %div3A_49, %get3A_54, %dot_general3A_55 {dimension_numbers = #tpu.dot_dimension_numbers<[1], [0], [0], [1], [0, 0, 1, 1], [], []>, transpose_lhs_hint = false} : vector<256x2048xf32>, vector<2048x64xf32>, vector<256x64xf32> -> vector<256x64xf32>
    %swap3A = arith.constant 0 : index
    %swap3A_57 = arith.constant 0 : index
    %swap3A_58 = arith.constant 0 : index
    %swap3A_59 = vector.load %arg9[%swap3A, %swap3A_57, %swap3A_58] : memref<1x256x64xf32, #tpu.memory_space<vmem>>, vector<1x256x64xf32>
    %swap3A_60 = vector.shape_cast %swap3A_59 : vector<1x256x64xf32> to vector<256x64xf32>
    %swap3A_61 = vector.shape_cast %dot_general3A_56 : vector<256x64xf32> to vector<1x256x64xf32>
    tpu.vector_store %arg9[%swap3A, %swap3A_57, %swap3A_58], %swap3A_61 {strides = array<i32>} : memref<1x256x64xf32, #tpu.memory_space<vmem>>, vector<1x256x64xf32>,
    return
  }
  func.func @transform_0(%arg0: i32, %arg1: i32) -> (i32, i32, i32) {
    %c0_i32 = arith.constant 0 : i32
    %c0_i32_0 = arith.constant 0 : i32
    return %arg0, %arg1, %c0_i32 : i32, i32, i32
  }
  func.func @transform_1(%arg0: i32, %arg1: i32) -> (i32, i32, i32) {
    %jit3A = arith.constant 3 : i32
    %div3A = arith.divsi %arg0, %jit3A : i32
    %sign3A = arith.constant 0 : i32
    %sign3A_0 = arith.cmpi sgt, %arg0, %sign3A : i32
    %sign3A_1 = arith.extui %sign3A_0 : i1 to i32
    %sign3A_2 = arith.constant 0 : i32
    %sign3A_3 = arith.cmpi slt, %arg0, %sign3A_2 : i32
    %sign3A_4 = arith.extui %sign3A_3 : i1 to i32
    %sign3A_5 = arith.subi %sign3A_1, %sign3A_4 : i32
    %sign3A_6 = arith.constant 0 : i32
    %sign3A_7 = arith.cmpi sgt, %jit3A, %sign3A_6 : i32
    %sign3A_8 = arith.extui %sign3A_7 : i1 to i32
    %sign3A_9 = arith.constant 0 : i32
    %sign3A_10 = arith.cmpi slt, %jit3A, %sign3A_9 : i32
    %sign3A_11 = arith.extui %sign3A_10 : i1 to i32
    %sign3A_12 = arith.subi %sign3A_8, %sign3A_11 : i32
    %ne3A = arith.cmpi ne, %sign3A_5, %sign3A_12 : i32
    %rem3A = arith.remsi %arg0, %jit3A : i32
    %ne3A_13 = arith.constant 0 : i32
    %ne3A_14 = arith.cmpi ne, %rem3A, %ne3A_13 : i32
    %and3A = arith.andi %ne3A, %ne3A_14 : i1
    %sub3A = arith.constant 1 : i32
    %sub3A_15 = arith.subi %div3A, %sub3A : i32
    %select_n3A = arith.select %and3A, %sub3A_15, %div3A : i32
    %c0_i32 = arith.constant 0 : i32
    %c0_i32_16 = arith.constant 0 : i32
    %c0_i32_17 = arith.constant 0 : i32
    return %select_n3A, %c0_i32, %c0_i32_16 : i32, i32, i32
  }
  func.func @transform_2(%arg0: i32, %arg1: i32) -> (i32, i32, i32) {
    %jit3A = arith.constant 3 : i32
    %div3A = arith.divsi %arg0, %jit3A : i32
    %sign3A = arith.constant 0 : i32
    %sign3A_0 = arith.cmpi sgt, %arg0, %sign3A : i32
    %sign3A_1 = arith.extui %sign3A_0 : i1 to i32
    %sign3A_2 = arith.constant 0 : i32
    %sign3A_3 = arith.cmpi slt, %arg0, %sign3A_2 : i32
    %sign3A_4 = arith.extui %sign3A_3 : i1 to i32
    %sign3A_5 = arith.subi %sign3A_1, %sign3A_4 : i32
    %sign3A_6 = arith.constant 0 : i32
    %sign3A_7 = arith.cmpi sgt, %jit3A, %sign3A_6 : i32
    %sign3A_8 = arith.extui %sign3A_7 : i1 to i32
    %sign3A_9 = arith.constant 0 : i32
    %sign3A_10 = arith.cmpi slt, %jit3A, %sign3A_9 : i32
    %sign3A_11 = arith.extui %sign3A_10 : i1 to i32
    %sign3A_12 = arith.subi %sign3A_8, %sign3A_11 : i32
    %ne3A = arith.cmpi ne, %sign3A_5, %sign3A_12 : i32
    %rem3A = arith.remsi %arg0, %jit3A : i32
    %ne3A_13 = arith.constant 0 : i32
    %ne3A_14 = arith.cmpi ne, %rem3A, %ne3A_13 : i32
    %and3A = arith.andi %ne3A, %ne3A_14 : i1
    %sub3A = arith.constant 1 : i32
    %sub3A_15 = arith.subi %div3A, %sub3A : i32
    %select_n3A = arith.select %and3A, %sub3A_15, %div3A : i32
    %c0_i32 = arith.constant 0 : i32
    %c0_i32_16 = arith.constant 0 : i32
    %c0_i32_17 = arith.constant 0 : i32
    return %select_n3A, %c0_i32, %c0_i32_16 : i32, i32, i32
  }
  func.func @transform_3(%arg0: i32, %arg1: i32) -> (i32, i32) {
    %c0_i32 = arith.constant 0 : i32
    %c0_i32_0 = arith.constant 0 : i32
    return %arg1, %c0_i32 : i32, i32
  }
  func.func @transform_4(%arg0: i32, %arg1: i32) -> (i32, i32) {
    %c0_i32 = arith.constant 0 : i32
    %c0_i32_0 = arith.constant 0 : i32
    return %arg1, %c0_i32 : i32, i32
  }
  func.func @transform_5(%arg0: i32, %arg1: i32) -> (i32, i32) {
    %c0_i32 = arith.constant 0 : i32
    %c0_i32_0 = arith.constant 0 : i32
    %c0_i32_1 = arith.constant 0 : i32
    return %c0_i32, %c0_i32_0 : i32, i32
  }
  func.func @transform_6(%arg0: i32, %arg1: i32) -> (i32, i32) {
    %c0_i32 = arith.constant 0 : i32
    %c0_i32_0 = arith.constant 0 : i32
    %c0_i32_1 = arith.constant 0 : i32
    return %c0_i32, %c0_i32_0 : i32, i32
  }
  func.func @transform_7(%arg0: i32, %arg1: i32) -> (i32, i32, i32) {
    %c0_i32 = arith.constant 0 : i32
    %c0_i32_0 = arith.constant 0 : i32
    return %arg0, %arg1, %c0_i32 : i32, i32, i32
  }
}

module attributes {stable_mosaic.version = 14 : i64} {
  func.func @_post_attn_body(%arg0: i32, %arg1: memref<256x768xf32, #tpu.memory_space<vmem>>, %arg2: memref<768x768xf32, #tpu.memory_space<vmem>>, %arg3: memref<256x768xf32, #tpu.memory_space<vmem>>, %arg4: memref<1x768xf32, #tpu.memory_space<vmem>>, %arg5: memref<16x768xf32, #tpu.memory_space<vmem>>, %arg6: memref<256x768xf32, #tpu.memory_space<vmem>>, %arg7: memref<256x768xf32, #tpu.memory_space<vmem>>, %arg8: memref<256x16xf32, #tpu.memory_space<vmem>>) attributes {dimension_semantics = [#tpu.dimension_semantics<arbitrary>], iteration_bounds = array<i64: 8>, scalar_prefetch = 0 : i64, scratch_operands = 0 : i64, tpu.core_type = #tpu.core_type<tc>, window_params = [{transform_indices = @transform_0, window_bounds = array<i64: 256, 768>}, {pipeline_mode = #tpu.pipeline_mode<synchronous>, transform_indices = @transform_1, window_bounds = array<i64: 768, 768>}, {transform_indices = @transform_2, window_bounds = array<i64: 256, 768>}, {pipeline_mode = #tpu.pipeline_mode<synchronous>, transform_indices = @transform_3, window_bounds = array<i64: 1, 768>}, {pipeline_mode = #tpu.pipeline_mode<synchronous>, transform_indices = @transform_4, window_bounds = array<i64: 16, 768>}, {transform_indices = @transform_5, window_bounds = array<i64: 256, 768>}, {transform_indices = @transform_6, window_bounds = array<i64: 256, 768>}, {transform_indices = @transform_7, window_bounds = array<i64: 256, 16>}]} {
    %get3A = arith.constant 0 : index
    %get3A_0 = arith.constant 0 : index
    %get3A_1 = vector.load %arg1[%get3A, %get3A_0] : memref<256x768xf32, #tpu.memory_space<vmem>>, vector<256x768xf32>
    %get3A_2 = arith.constant 0 : index
    %get3A_3 = arith.constant 0 : index
    %get3A_4 = vector.load %arg2[%get3A_2, %get3A_3] : memref<768x768xf32, #tpu.memory_space<vmem>>, vector<768x768xf32>
    %dot_general3A = arith.constant dense<0.000000e+00> : vector<256x768xf32>
    %dot_general3A_5 = tpu.matmul %get3A_1, %get3A_4, %dot_general3A {dimension_numbers = #tpu.dot_dimension_numbers<[1], [1], [0], [0], [0, 0, 1, 0], [], []>, transpose_lhs_hint = false} : vector<256x768xf32>, vector<768x768xf32>, vector<256x768xf32> -> vector<256x768xf32>
    %get3A_6 = arith.constant 0 : index
    %get3A_7 = arith.constant 0 : index
    %get3A_8 = vector.load %arg3[%get3A_6, %get3A_7] : memref<256x768xf32, #tpu.memory_space<vmem>>, vector<256x768xf32>
    %add3A = arith.addf %dot_general3A_5, %get3A_8 : vector<256x768xf32>
    %swap3A = arith.constant 0 : index
    %swap3A_9 = arith.constant 0 : index
    %swap3A_10 = vector.load %arg6[%swap3A, %swap3A_9] : memref<256x768xf32, #tpu.memory_space<vmem>>, vector<256x768xf32>
    tpu.vector_store %arg6[%swap3A, %swap3A_9], %add3A {strides = array<i32>} : memref<256x768xf32, #tpu.memory_space<vmem>>, vector<256x768xf32>,
    %get3A_11 = arith.constant 0 : index
    %get3A_12 = arith.constant 0 : index
    %get3A_13 = vector.load %arg4[%get3A_11, %get3A_12] : memref<1x768xf32, #tpu.memory_space<vmem>>, vector<1x768xf32>
    %mul3A = arith.mulf %add3A, %add3A : vector<256x768xf32>
    %reduce_sum3A = arith.constant dense<0.000000e+00> : vector<256xf32>
    %reduce_sum3A_14 = vector.multi_reduction <add>, %mul3A, %reduce_sum3A [1] : vector<256x768xf32> to vector<256xf32>
    %broadcast_in_dim3A = vector.shape_cast %reduce_sum3A_14 : vector<256xf32> to vector<256x1xf32>
    %div3A = arith.constant 7.680000e+02 : f32
    %div3A_15 = vector.broadcast %div3A : f32 to vector<256x1xf32>
    %div3A_16 = arith.divf %broadcast_in_dim3A, %div3A_15 : vector<256x1xf32>
    %add3A_17 = arith.constant 9.99999997E-7 : f32
    %add3A_18 = vector.broadcast %add3A_17 : f32 to vector<256x1xf32>
    %add3A_19 = arith.addf %div3A_16, %add3A_18 : vector<256x1xf32>
    %rsqrt3A = math.rsqrt %add3A_19 : vector<256x1xf32>
    %mul3A_20 = vector.broadcast %rsqrt3A : vector<256x1xf32> to vector<256x768xf32>
    %mul3A_21 = arith.mulf %add3A, %mul3A_20 : vector<256x768xf32>
    %mul3A_22 = vector.broadcast %get3A_13 : vector<1x768xf32> to vector<256x768xf32>
    %mul3A_23 = arith.mulf %mul3A_21, %mul3A_22 : vector<256x768xf32>
    %swap3A_24 = arith.constant 0 : index
    %swap3A_25 = arith.constant 0 : index
    %swap3A_26 = vector.load %arg7[%swap3A_24, %swap3A_25] : memref<256x768xf32, #tpu.memory_space<vmem>>, vector<256x768xf32>
    tpu.vector_store %arg7[%swap3A_24, %swap3A_25], %mul3A_23 {strides = array<i32>} : memref<256x768xf32, #tpu.memory_space<vmem>>, vector<256x768xf32>,
    %get3A_27 = arith.constant 0 : index
    %get3A_28 = arith.constant 0 : index
    %get3A_29 = vector.load %arg5[%get3A_27, %get3A_28] : memref<16x768xf32, #tpu.memory_space<vmem>>, vector<16x768xf32>
    %dot_general3A_30 = arith.constant dense<0.000000e+00> : vector<256x16xf32>
    %dot_general3A_31 = tpu.matmul %mul3A_23, %get3A_29, %dot_general3A_30 {dimension_numbers = #tpu.dot_dimension_numbers<[1], [1], [0], [0], [0, 0, 1, 0], [], []>, transpose_lhs_hint = false} : vector<256x768xf32>, vector<16x768xf32>, vector<256x16xf32> -> vector<256x16xf32>
    %reduce_max3A = arith.constant dense<0xFF800000> : vector<256xf32>
    %reduce_max3A_32 = vector.multi_reduction <maximumf>, %dot_general3A_31, %reduce_max3A [1] : vector<256x16xf32> to vector<256xf32>
    %broadcast_in_dim3A_33 = vector.shape_cast %reduce_max3A_32 : vector<256xf32> to vector<256x1xf32>
    %sub3A = vector.broadcast %broadcast_in_dim3A_33 : vector<256x1xf32> to vector<256x16xf32>
    %sub3A_34 = arith.subf %dot_general3A_31, %sub3A : vector<256x16xf32>
    %exp3A = math.exp %sub3A_34 : vector<256x16xf32>
    %reduce_sum3A_35 = arith.constant dense<0.000000e+00> : vector<256xf32>
    %reduce_sum3A_36 = vector.multi_reduction <add>, %exp3A, %reduce_sum3A_35 [1] : vector<256x16xf32> to vector<256xf32>
    %broadcast_in_dim3A_37 = vector.shape_cast %reduce_sum3A_36 : vector<256xf32> to vector<256x1xf32>
    %div3A_38 = vector.broadcast %broadcast_in_dim3A_37 : vector<256x1xf32> to vector<256x16xf32>
    %div3A_39 = arith.divf %exp3A, %div3A_38 : vector<256x16xf32>
    %iota3A = tpu.iota {dimensions = array<i32: 1>} : vector<256x16xi32>
    %reduce_max3A_40 = arith.constant dense<0xFF800000> : vector<256xf32>
    %reduce_max3A_41 = vector.multi_reduction <maximumf>, %div3A_39, %reduce_max3A_40 [1] : vector<256x16xf32> to vector<256xf32>
    %broadcast_in_dim3A_42 = vector.shape_cast %reduce_max3A_41 : vector<256xf32> to vector<256x1xf32>
    %eq3A = vector.broadcast %broadcast_in_dim3A_42 : vector<256x1xf32> to vector<256x16xf32>
    %eq3A_43 = arith.cmpf oeq, %div3A_39, %eq3A : vector<256x16xf32>
    %jit3A = arith.constant 16 : i32
    %broadcast_in_dim3A_44 = vector.broadcast %jit3A : i32 to vector<256x16xi32>
    %select_n3A = arith.select %eq3A_43, %iota3A, %broadcast_in_dim3A_44 : vector<256x16xi1>, vector<256x16xi32>
    %reduce_min3A = arith.constant dense<2147483647> : vector<256xi32>
    %reduce_min3A_45 = vector.multi_reduction <minsi>, %select_n3A, %reduce_min3A [1] : vector<256x16xi32> to vector<256xi32>
    %broadcast_in_dim3A_46 = vector.shape_cast %reduce_min3A_45 : vector<256xi32> to vector<256x1xi32>
    %eq3A_47 = vector.broadcast %broadcast_in_dim3A_46 : vector<256x1xi32> to vector<256x16xi32>
    %eq3A_48 = arith.cmpi eq, %iota3A, %eq3A_47 : vector<256x16xi32>
    %jit3A_49 = arith.constant -1.000000e+00 : f32
    %broadcast_in_dim3A_50 = vector.broadcast %jit3A_49 : f32 to vector<256x16xf32>
    %select_n3A_51 = arith.select %eq3A_48, %broadcast_in_dim3A_50, %div3A_39 : vector<256x16xi1>, vector<256x16xf32>
    %reduce_max3A_52 = arith.constant dense<0xFF800000> : vector<256xf32>
    %reduce_max3A_53 = vector.multi_reduction <maximumf>, %select_n3A_51, %reduce_max3A_52 [1] : vector<256x16xf32> to vector<256xf32>
    %broadcast_in_dim3A_54 = vector.shape_cast %reduce_max3A_53 : vector<256xf32> to vector<256x1xf32>
    %eq3A_55 = vector.broadcast %broadcast_in_dim3A_54 : vector<256x1xf32> to vector<256x16xf32>
    %eq3A_56 = arith.cmpf oeq, %select_n3A_51, %eq3A_55 : vector<256x16xf32>
    %jit3A_57 = arith.constant 16 : i32
    %broadcast_in_dim3A_58 = vector.broadcast %jit3A_57 : i32 to vector<256x16xi32>
    %select_n3A_59 = arith.select %eq3A_56, %iota3A, %broadcast_in_dim3A_58 : vector<256x16xi1>, vector<256x16xi32>
    %reduce_min3A_60 = arith.constant dense<2147483647> : vector<256xi32>
    %reduce_min3A_61 = vector.multi_reduction <minsi>, %select_n3A_59, %reduce_min3A_60 [1] : vector<256x16xi32> to vector<256xi32>
    %broadcast_in_dim3A_62 = vector.shape_cast %reduce_min3A_61 : vector<256xi32> to vector<256x1xi32>
    %add3A_63 = arith.addf %broadcast_in_dim3A_42, %broadcast_in_dim3A_54 : vector<256x1xf32>
    %eq3A_64 = vector.broadcast %broadcast_in_dim3A_46 : vector<256x1xi32> to vector<256x16xi32>
    %eq3A_65 = arith.cmpi eq, %iota3A, %eq3A_64 : vector<256x16xi32>
    %div3A_66 = arith.divf %broadcast_in_dim3A_42, %add3A_63 : vector<256x1xf32>
    %jit3A_67 = arith.constant 0.000000e+00 : f32
    %broadcast_in_dim3A_68 = vector.shape_cast %div3A_66 : vector<256x1xf32> to vector<256x1xf32>
    %broadcast_in_dim3A_69 = vector.broadcast %broadcast_in_dim3A_68 : vector<256x1xf32> to vector<256x16xf32>
    %broadcast_in_dim3A_70 = vector.broadcast %jit3A_67 : f32 to vector<256x16xf32>
    %select_n3A_71 = arith.select %eq3A_65, %broadcast_in_dim3A_69, %broadcast_in_dim3A_70 : vector<256x16xi1>, vector<256x16xf32>
    %eq3A_72 = vector.broadcast %broadcast_in_dim3A_62 : vector<256x1xi32> to vector<256x16xi32>
    %eq3A_73 = arith.cmpi eq, %iota3A, %eq3A_72 : vector<256x16xi32>
    %div3A_74 = arith.divf %broadcast_in_dim3A_54, %add3A_63 : vector<256x1xf32>
    %jit3A_75 = arith.constant 0.000000e+00 : f32
    %broadcast_in_dim3A_76 = vector.shape_cast %div3A_74 : vector<256x1xf32> to vector<256x1xf32>
    %broadcast_in_dim3A_77 = vector.broadcast %broadcast_in_dim3A_76 : vector<256x1xf32> to vector<256x16xf32>
    %broadcast_in_dim3A_78 = vector.broadcast %jit3A_75 : f32 to vector<256x16xf32>
    %select_n3A_79 = arith.select %eq3A_73, %broadcast_in_dim3A_77, %broadcast_in_dim3A_78 : vector<256x16xi1>, vector<256x16xf32>
    %add3A_80 = arith.addf %select_n3A_71, %select_n3A_79 : vector<256x16xf32>
    %swap3A_81 = arith.constant 0 : index
    %swap3A_82 = arith.constant 0 : index
    %swap3A_83 = vector.load %arg8[%swap3A_81, %swap3A_82] : memref<256x16xf32, #tpu.memory_space<vmem>>, vector<256x16xf32>
    tpu.vector_store %arg8[%swap3A_81, %swap3A_82], %add3A_80 {strides = array<i32>} : memref<256x16xf32, #tpu.memory_space<vmem>>, vector<256x16xf32>,
    return
  }
  func.func @transform_0(%arg0: i32) -> (i32, i32) {
    %c0_i32 = arith.constant 0 : i32
    %c0_i32_0 = arith.constant 0 : i32
    return %arg0, %c0_i32 : i32, i32
  }
  func.func @transform_1(%arg0: i32) -> (i32, i32) {
    %c0_i32 = arith.constant 0 : i32
    %c0_i32_0 = arith.constant 0 : i32
    %c0_i32_1 = arith.constant 0 : i32
    return %c0_i32, %c0_i32_0 : i32, i32
  }
  func.func @transform_2(%arg0: i32) -> (i32, i32) {
    %c0_i32 = arith.constant 0 : i32
    %c0_i32_0 = arith.constant 0 : i32
    return %arg0, %c0_i32 : i32, i32
  }
  func.func @transform_3(%arg0: i32) -> (i32, i32) {
    %c0_i32 = arith.constant 0 : i32
    %c0_i32_0 = arith.constant 0 : i32
    %c0_i32_1 = arith.constant 0 : i32
    return %c0_i32, %c0_i32_0 : i32, i32
  }
  func.func @transform_4(%arg0: i32) -> (i32, i32) {
    %c0_i32 = arith.constant 0 : i32
    %c0_i32_0 = arith.constant 0 : i32
    %c0_i32_1 = arith.constant 0 : i32
    return %c0_i32, %c0_i32_0 : i32, i32
  }
  func.func @transform_5(%arg0: i32) -> (i32, i32) {
    %c0_i32 = arith.constant 0 : i32
    %c0_i32_0 = arith.constant 0 : i32
    return %arg0, %c0_i32 : i32, i32
  }
  func.func @transform_6(%arg0: i32) -> (i32, i32) {
    %c0_i32 = arith.constant 0 : i32
    %c0_i32_0 = arith.constant 0 : i32
    return %arg0, %c0_i32 : i32, i32
  }
  func.func @transform_7(%arg0: i32) -> (i32, i32) {
    %c0_i32 = arith.constant 0 : i32
    %c0_i32_0 = arith.constant 0 : i32
    return %arg0, %c0_i32 : i32, i32
  }
}

module attributes {stable_mosaic.version = 14 : i64} {
  func.func @_srctok_body(%arg0: i32, %arg1: memref<4096x1xf32, #tpu.memory_space<vmem>>, %arg2: memref<1x4096xf32, #tpu.memory_space<vmem>>, %arg3: memref<8x128xf32, #tpu.memory_space<vmem>>) attributes {dimension_semantics = [#tpu.dimension_semantics<arbitrary>], iteration_bounds = array<i64: 6>, scalar_prefetch = 0 : i64, scratch_operands = 0 : i64, tpu.core_type = #tpu.core_type<tc>, window_params = [{pipeline_mode = #tpu.pipeline_mode<synchronous>, transform_indices = @transform_0, window_bounds = array<i64: 4096, 1>}, {pipeline_mode = #tpu.pipeline_mode<synchronous>, transform_indices = @transform_1, window_bounds = array<i64: 1, 4096>}, {transform_indices = @transform_2, window_bounds = array<i64: 8, 128>}]} {
    %get3A = arith.constant 0 : index
    %get3A_0 = arith.constant 0 : index
    %get3A_1 = vector.load %arg1[%get3A, %get3A_0] : memref<4096x1xf32, #tpu.memory_space<vmem>>, vector<4096x1xf32>
    %get3A_2 = arith.constant 0 : index
    %get3A_3 = arith.constant 0 : index
    %get3A_4 = vector.load %arg2[%get3A_2, %get3A_3] : memref<1x4096xf32, #tpu.memory_space<vmem>>, vector<1x4096xf32>
    %iota3A = tpu.iota {dimensions = array<i32: 1>} : vector<1x128xi32>
    %mul3A = arith.constant 1024 : i32
    %mul3A_5 = arith.muli %arg0, %mul3A : i32
    %add3A = arith.constant 0 : i32
    %add3A_6 = arith.addi %mul3A_5, %add3A : i32
    %add3A_7 = vector.broadcast %add3A_6 : i32 to vector<1x128xi32>
    %add3A_8 = arith.addi %add3A_7, %iota3A : vector<1x128xi32>
    %convert_element_type3A = arith.sitofp %add3A_8 : vector<1x128xi32> to vector<1x128xf32>
    %eq3A = vector.broadcast %get3A_1 : vector<4096x1xf32> to vector<4096x128xf32>
    %eq3A_9 = vector.broadcast %convert_element_type3A : vector<1x128xf32> to vector<4096x128xf32>
    %eq3A_10 = arith.cmpf oeq, %eq3A, %eq3A_9 : vector<4096x128xf32>
    %jit3A = arith.constant 1.000000e+00 : f32
    %jit3A_11 = arith.constant 0.000000e+00 : f32
    %broadcast_in_dim3A = vector.broadcast %jit3A : f32 to vector<4096x128xf32>
    %broadcast_in_dim3A_12 = vector.broadcast %jit3A_11 : f32 to vector<4096x128xf32>
    %select_n3A = arith.select %eq3A_10, %broadcast_in_dim3A, %broadcast_in_dim3A_12 : vector<4096x128xi1>, vector<4096x128xf32>
    %dot_general3A = arith.constant dense<0.000000e+00> : vector<1x128xf32>
    %dot_general3A_13 = tpu.matmul %get3A_4, %select_n3A, %dot_general3A {dimension_numbers = #tpu.dot_dimension_numbers<[1], [0], [0], [1], [0, 0, 1, 1], [], []>, precision = #tpu.contract_precision<fp32>, transpose_lhs_hint = false} : vector<1x4096xf32>, vector<4096x128xf32>, vector<1x128xf32> -> vector<1x128xf32>
    %mul3A_14 = arith.constant 1024 : i32
    %mul3A_15 = arith.muli %arg0, %mul3A_14 : i32
    %add3A_16 = arith.constant 128 : i32
    %add3A_17 = arith.addi %mul3A_15, %add3A_16 : i32
    %add3A_18 = vector.broadcast %add3A_17 : i32 to vector<1x128xi32>
    %add3A_19 = arith.addi %add3A_18, %iota3A : vector<1x128xi32>
    %convert_element_type3A_20 = arith.sitofp %add3A_19 : vector<1x128xi32> to vector<1x128xf32>
    %eq3A_21 = vector.broadcast %get3A_1 : vector<4096x1xf32> to vector<4096x128xf32>
    %eq3A_22 = vector.broadcast %convert_element_type3A_20 : vector<1x128xf32> to vector<4096x128xf32>
    %eq3A_23 = arith.cmpf oeq, %eq3A_21, %eq3A_22 : vector<4096x128xf32>
    %jit3A_24 = arith.constant 1.000000e+00 : f32
    %jit3A_25 = arith.constant 0.000000e+00 : f32
    %broadcast_in_dim3A_26 = vector.broadcast %jit3A_24 : f32 to vector<4096x128xf32>
    %broadcast_in_dim3A_27 = vector.broadcast %jit3A_25 : f32 to vector<4096x128xf32>
    %select_n3A_28 = arith.select %eq3A_23, %broadcast_in_dim3A_26, %broadcast_in_dim3A_27 : vector<4096x128xi1>, vector<4096x128xf32>
    %dot_general3A_29 = arith.constant dense<0.000000e+00> : vector<1x128xf32>
    %dot_general3A_30 = tpu.matmul %get3A_4, %select_n3A_28, %dot_general3A_29 {dimension_numbers = #tpu.dot_dimension_numbers<[1], [0], [0], [1], [0, 0, 1, 1], [], []>, precision = #tpu.contract_precision<fp32>, transpose_lhs_hint = false} : vector<1x4096xf32>, vector<4096x128xf32>, vector<1x128xf32> -> vector<1x128xf32>
    %mul3A_31 = arith.constant 1024 : i32
    %mul3A_32 = arith.muli %arg0, %mul3A_31 : i32
    %add3A_33 = arith.constant 256 : i32
    %add3A_34 = arith.addi %mul3A_32, %add3A_33 : i32
    %add3A_35 = vector.broadcast %add3A_34 : i32 to vector<1x128xi32>
    %add3A_36 = arith.addi %add3A_35, %iota3A : vector<1x128xi32>
    %convert_element_type3A_37 = arith.sitofp %add3A_36 : vector<1x128xi32> to vector<1x128xf32>
    %eq3A_38 = vector.broadcast %get3A_1 : vector<4096x1xf32> to vector<4096x128xf32>
    %eq3A_39 = vector.broadcast %convert_element_type3A_37 : vector<1x128xf32> to vector<4096x128xf32>
    %eq3A_40 = arith.cmpf oeq, %eq3A_38, %eq3A_39 : vector<4096x128xf32>
    %jit3A_41 = arith.constant 1.000000e+00 : f32
    %jit3A_42 = arith.constant 0.000000e+00 : f32
    %broadcast_in_dim3A_43 = vector.broadcast %jit3A_41 : f32 to vector<4096x128xf32>
    %broadcast_in_dim3A_44 = vector.broadcast %jit3A_42 : f32 to vector<4096x128xf32>
    %select_n3A_45 = arith.select %eq3A_40, %broadcast_in_dim3A_43, %broadcast_in_dim3A_44 : vector<4096x128xi1>, vector<4096x128xf32>
    %dot_general3A_46 = arith.constant dense<0.000000e+00> : vector<1x128xf32>
    %dot_general3A_47 = tpu.matmul %get3A_4, %select_n3A_45, %dot_general3A_46 {dimension_numbers = #tpu.dot_dimension_numbers<[1], [0], [0], [1], [0, 0, 1, 1], [], []>, precision = #tpu.contract_precision<fp32>, transpose_lhs_hint = false} : vector<1x4096xf32>, vector<4096x128xf32>, vector<1x128xf32> -> vector<1x128xf32>
    %mul3A_48 = arith.constant 1024 : i32
    %mul3A_49 = arith.muli %arg0, %mul3A_48 : i32
    %add3A_50 = arith.constant 384 : i32
    %add3A_51 = arith.addi %mul3A_49, %add3A_50 : i32
    %add3A_52 = vector.broadcast %add3A_51 : i32 to vector<1x128xi32>
    %add3A_53 = arith.addi %add3A_52, %iota3A : vector<1x128xi32>
    %convert_element_type3A_54 = arith.sitofp %add3A_53 : vector<1x128xi32> to vector<1x128xf32>
    %eq3A_55 = vector.broadcast %get3A_1 : vector<4096x1xf32> to vector<4096x128xf32>
    %eq3A_56 = vector.broadcast %convert_element_type3A_54 : vector<1x128xf32> to vector<4096x128xf32>
    %eq3A_57 = arith.cmpf oeq, %eq3A_55, %eq3A_56 : vector<4096x128xf32>
    %jit3A_58 = arith.constant 1.000000e+00 : f32
    %jit3A_59 = arith.constant 0.000000e+00 : f32
    %broadcast_in_dim3A_60 = vector.broadcast %jit3A_58 : f32 to vector<4096x128xf32>
    %broadcast_in_dim3A_61 = vector.broadcast %jit3A_59 : f32 to vector<4096x128xf32>
    %select_n3A_62 = arith.select %eq3A_57, %broadcast_in_dim3A_60, %broadcast_in_dim3A_61 : vector<4096x128xi1>, vector<4096x128xf32>
    %dot_general3A_63 = arith.constant dense<0.000000e+00> : vector<1x128xf32>
    %dot_general3A_64 = tpu.matmul %get3A_4, %select_n3A_62, %dot_general3A_63 {dimension_numbers = #tpu.dot_dimension_numbers<[1], [0], [0], [1], [0, 0, 1, 1], [], []>, precision = #tpu.contract_precision<fp32>, transpose_lhs_hint = false} : vector<1x4096xf32>, vector<4096x128xf32>, vector<1x128xf32> -> vector<1x128xf32>
    %mul3A_65 = arith.constant 1024 : i32
    %mul3A_66 = arith.muli %arg0, %mul3A_65 : i32
    %add3A_67 = arith.constant 512 : i32
    %add3A_68 = arith.addi %mul3A_66, %add3A_67 : i32
    %add3A_69 = vector.broadcast %add3A_68 : i32 to vector<1x128xi32>
    %add3A_70 = arith.addi %add3A_69, %iota3A : vector<1x128xi32>
    %convert_element_type3A_71 = arith.sitofp %add3A_70 : vector<1x128xi32> to vector<1x128xf32>
    %eq3A_72 = vector.broadcast %get3A_1 : vector<4096x1xf32> to vector<4096x128xf32>
    %eq3A_73 = vector.broadcast %convert_element_type3A_71 : vector<1x128xf32> to vector<4096x128xf32>
    %eq3A_74 = arith.cmpf oeq, %eq3A_72, %eq3A_73 : vector<4096x128xf32>
    %jit3A_75 = arith.constant 1.000000e+00 : f32
    %jit3A_76 = arith.constant 0.000000e+00 : f32
    %broadcast_in_dim3A_77 = vector.broadcast %jit3A_75 : f32 to vector<4096x128xf32>
    %broadcast_in_dim3A_78 = vector.broadcast %jit3A_76 : f32 to vector<4096x128xf32>
    %select_n3A_79 = arith.select %eq3A_74, %broadcast_in_dim3A_77, %broadcast_in_dim3A_78 : vector<4096x128xi1>, vector<4096x128xf32>
    %dot_general3A_80 = arith.constant dense<0.000000e+00> : vector<1x128xf32>
    %dot_general3A_81 = tpu.matmul %get3A_4, %select_n3A_79, %dot_general3A_80 {dimension_numbers = #tpu.dot_dimension_numbers<[1], [0], [0], [1], [0, 0, 1, 1], [], []>, precision = #tpu.contract_precision<fp32>, transpose_lhs_hint = false} : vector<1x4096xf32>, vector<4096x128xf32>, vector<1x128xf32> -> vector<1x128xf32>
    %mul3A_82 = arith.constant 1024 : i32
    %mul3A_83 = arith.muli %arg0, %mul3A_82 : i32
    %add3A_84 = arith.constant 640 : i32
    %add3A_85 = arith.addi %mul3A_83, %add3A_84 : i32
    %add3A_86 = vector.broadcast %add3A_85 : i32 to vector<1x128xi32>
    %add3A_87 = arith.addi %add3A_86, %iota3A : vector<1x128xi32>
    %convert_element_type3A_88 = arith.sitofp %add3A_87 : vector<1x128xi32> to vector<1x128xf32>
    %eq3A_89 = vector.broadcast %get3A_1 : vector<4096x1xf32> to vector<4096x128xf32>
    %eq3A_90 = vector.broadcast %convert_element_type3A_88 : vector<1x128xf32> to vector<4096x128xf32>
    %eq3A_91 = arith.cmpf oeq, %eq3A_89, %eq3A_90 : vector<4096x128xf32>
    %jit3A_92 = arith.constant 1.000000e+00 : f32
    %jit3A_93 = arith.constant 0.000000e+00 : f32
    %broadcast_in_dim3A_94 = vector.broadcast %jit3A_92 : f32 to vector<4096x128xf32>
    %broadcast_in_dim3A_95 = vector.broadcast %jit3A_93 : f32 to vector<4096x128xf32>
    %select_n3A_96 = arith.select %eq3A_91, %broadcast_in_dim3A_94, %broadcast_in_dim3A_95 : vector<4096x128xi1>, vector<4096x128xf32>
    %dot_general3A_97 = arith.constant dense<0.000000e+00> : vector<1x128xf32>
    %dot_general3A_98 = tpu.matmul %get3A_4, %select_n3A_96, %dot_general3A_97 {dimension_numbers = #tpu.dot_dimension_numbers<[1], [0], [0], [1], [0, 0, 1, 1], [], []>, precision = #tpu.contract_precision<fp32>, transpose_lhs_hint = false} : vector<1x4096xf32>, vector<4096x128xf32>, vector<1x128xf32> -> vector<1x128xf32>
    %mul3A_99 = arith.constant 1024 : i32
    %mul3A_100 = arith.muli %arg0, %mul3A_99 : i32
    %add3A_101 = arith.constant 768 : i32
    %add3A_102 = arith.addi %mul3A_100, %add3A_101 : i32
    %add3A_103 = vector.broadcast %add3A_102 : i32 to vector<1x128xi32>
    %add3A_104 = arith.addi %add3A_103, %iota3A : vector<1x128xi32>
    %convert_element_type3A_105 = arith.sitofp %add3A_104 : vector<1x128xi32> to vector<1x128xf32>
    %eq3A_106 = vector.broadcast %get3A_1 : vector<4096x1xf32> to vector<4096x128xf32>
    %eq3A_107 = vector.broadcast %convert_element_type3A_105 : vector<1x128xf32> to vector<4096x128xf32>
    %eq3A_108 = arith.cmpf oeq, %eq3A_106, %eq3A_107 : vector<4096x128xf32>
    %jit3A_109 = arith.constant 1.000000e+00 : f32
    %jit3A_110 = arith.constant 0.000000e+00 : f32
    %broadcast_in_dim3A_111 = vector.broadcast %jit3A_109 : f32 to vector<4096x128xf32>
    %broadcast_in_dim3A_112 = vector.broadcast %jit3A_110 : f32 to vector<4096x128xf32>
    %select_n3A_113 = arith.select %eq3A_108, %broadcast_in_dim3A_111, %broadcast_in_dim3A_112 : vector<4096x128xi1>, vector<4096x128xf32>
    %dot_general3A_114 = arith.constant dense<0.000000e+00> : vector<1x128xf32>
    %dot_general3A_115 = tpu.matmul %get3A_4, %select_n3A_113, %dot_general3A_114 {dimension_numbers = #tpu.dot_dimension_numbers<[1], [0], [0], [1], [0, 0, 1, 1], [], []>, precision = #tpu.contract_precision<fp32>, transpose_lhs_hint = false} : vector<1x4096xf32>, vector<4096x128xf32>, vector<1x128xf32> -> vector<1x128xf32>
    %mul3A_116 = arith.constant 1024 : i32
    %mul3A_117 = arith.muli %arg0, %mul3A_116 : i32
    %add3A_118 = arith.constant 896 : i32
    %add3A_119 = arith.addi %mul3A_117, %add3A_118 : i32
    %add3A_120 = vector.broadcast %add3A_119 : i32 to vector<1x128xi32>
    %add3A_121 = arith.addi %add3A_120, %iota3A : vector<1x128xi32>
    %convert_element_type3A_122 = arith.sitofp %add3A_121 : vector<1x128xi32> to vector<1x128xf32>
    %eq3A_123 = vector.broadcast %get3A_1 : vector<4096x1xf32> to vector<4096x128xf32>
    %eq3A_124 = vector.broadcast %convert_element_type3A_122 : vector<1x128xf32> to vector<4096x128xf32>
    %eq3A_125 = arith.cmpf oeq, %eq3A_123, %eq3A_124 : vector<4096x128xf32>
    %jit3A_126 = arith.constant 1.000000e+00 : f32
    %jit3A_127 = arith.constant 0.000000e+00 : f32
    %broadcast_in_dim3A_128 = vector.broadcast %jit3A_126 : f32 to vector<4096x128xf32>
    %broadcast_in_dim3A_129 = vector.broadcast %jit3A_127 : f32 to vector<4096x128xf32>
    %select_n3A_130 = arith.select %eq3A_125, %broadcast_in_dim3A_128, %broadcast_in_dim3A_129 : vector<4096x128xi1>, vector<4096x128xf32>
    %dot_general3A_131 = arith.constant dense<0.000000e+00> : vector<1x128xf32>
    %dot_general3A_132 = tpu.matmul %get3A_4, %select_n3A_130, %dot_general3A_131 {dimension_numbers = #tpu.dot_dimension_numbers<[1], [0], [0], [1], [0, 0, 1, 1], [], []>, precision = #tpu.contract_precision<fp32>, transpose_lhs_hint = false} : vector<1x4096xf32>, vector<4096x128xf32>, vector<1x128xf32> -> vector<1x128xf32>
    %concatenate3A = tpu.concatenate %dot_general3A_13, %dot_general3A_30, %dot_general3A_47, %dot_general3A_64, %dot_general3A_81, %dot_general3A_98, %dot_general3A_115, %dot_general3A_132 in 0 : vector<1x128xf32>, vector<1x128xf32>, vector<1x128xf32>, vector<1x128xf32>, vector<1x128xf32>, vector<1x128xf32>, vector<1x128xf32>, vector<1x128xf32> -> vector<8x128xf32>
    %swap3A = arith.constant 0 : index
    %swap3A_133 = arith.constant 0 : index
    %swap3A_134 = vector.load %arg3[%swap3A, %swap3A_133] : memref<8x128xf32, #tpu.memory_space<vmem>>, vector<8x128xf32>
    tpu.vector_store %arg3[%swap3A, %swap3A_133], %concatenate3A {strides = array<i32>} : memref<8x128xf32, #tpu.memory_space<vmem>>, vector<8x128xf32>,
    return
  }
  func.func @transform_0(%arg0: i32) -> (i32, i32) {
    %c0_i32 = arith.constant 0 : i32
    %c0_i32_0 = arith.constant 0 : i32
    %c0_i32_1 = arith.constant 0 : i32
    return %c0_i32, %c0_i32_0 : i32, i32
  }
  func.func @transform_1(%arg0: i32) -> (i32, i32) {
    %c0_i32 = arith.constant 0 : i32
    %c0_i32_0 = arith.constant 0 : i32
    %c0_i32_1 = arith.constant 0 : i32
    return %c0_i32, %c0_i32_0 : i32, i32
  }
  func.func @transform_2(%arg0: i32) -> (i32, i32) {
    %c0_i32 = arith.constant 0 : i32
    %c0_i32_0 = arith.constant 0 : i32
    return %arg0, %c0_i32 : i32, i32
  }
}

module attributes {stable_mosaic.version = 14 : i64} {
  func.func @_moe_body(%arg0: i32, %arg1: memref<48xi32, #tpu.memory_space<smem>>, %arg2: memref<128x768xf32, #tpu.memory_space<vmem>>, %arg3: memref<1x768x768xf32, #tpu.memory_space<vmem>>, %arg4: memref<1x768x384xf32, #tpu.memory_space<vmem>>, %arg5: memref<128x768xf32, #tpu.memory_space<vmem>>) attributes {dimension_semantics = [#tpu.dimension_semantics<arbitrary>], iteration_bounds = array<i64: 48>, scalar_prefetch = 1 : i64, scratch_operands = 0 : i64, tpu.core_type = #tpu.core_type<tc>, window_params = [{transform_indices = @transform_0, window_bounds = array<i64: 128, 768>}, {transform_indices = @transform_1, window_bounds = array<i64: 1, 768, 768>}, {transform_indices = @transform_2, window_bounds = array<i64: 1, 768, 384>}, {transform_indices = @transform_3, window_bounds = array<i64: 128, 768>}]} {
    %get3A = arith.constant 0 : index
    %get3A_0 = arith.constant 0 : index
    %get3A_1 = vector.load %arg2[%get3A, %get3A_0] : memref<128x768xf32, #tpu.memory_space<vmem>>, vector<128x768xf32>
    %get3A_2 = arith.constant 0 : index
    %get3A_3 = arith.constant 0 : index
    %get3A_4 = arith.constant 0 : index
    %get3A_5 = vector.load %arg3[%get3A_2, %get3A_3, %get3A_4] : memref<1x768x768xf32, #tpu.memory_space<vmem>>, vector<1x768x768xf32>
    %get3A_6 = vector.shape_cast %get3A_5 : vector<1x768x768xf32> to vector<768x768xf32>
    %dot_general3A = arith.constant dense<0.000000e+00> : vector<128x768xf32>
    %dot_general3A_7 = tpu.matmul %get3A_1, %get3A_6, %dot_general3A {dimension_numbers = #tpu.dot_dimension_numbers<[1], [1], [0], [0], [0, 0, 1, 0], [], []>, transpose_lhs_hint = false} : vector<128x768xf32>, vector<768x768xf32>, vector<128x768xf32> -> vector<128x768xf32>
    %slice3A = vector.extract_strided_slice %dot_general3A_7 {offsets = [0, 0], sizes = [128, 384], strides = [1, 1]} : vector<128x768xf32> to vector<128x384xf32>
    %slice3A_8 = vector.extract_strided_slice %dot_general3A_7 {offsets = [0, 384], sizes = [128, 384], strides = [1, 1]} : vector<128x768xf32> to vector<128x384xf32>
    %logistic3A = arith.negf %slice3A : vector<128x384xf32>
    %logistic3A_9 = math.exp %logistic3A : vector<128x384xf32>
    %logistic3A_10 = arith.constant 1.000000e+00 : f32
    %logistic3A_11 = vector.broadcast %logistic3A_10 : f32 to vector<128x384xf32>
    %logistic3A_12 = arith.addf %logistic3A_11, %logistic3A_9 : vector<128x384xf32>
    %logistic3A_13 = arith.divf %logistic3A_11, %logistic3A_12 : vector<128x384xf32>
    %mul3A = arith.mulf %slice3A, %logistic3A_13 : vector<128x384xf32>
    %mul3A_14 = arith.mulf %mul3A, %slice3A_8 : vector<128x384xf32>
    %get3A_15 = arith.constant 0 : index
    %get3A_16 = arith.constant 0 : index
    %get3A_17 = arith.constant 0 : index
    %get3A_18 = vector.load %arg4[%get3A_15, %get3A_16, %get3A_17] : memref<1x768x384xf32, #tpu.memory_space<vmem>>, vector<1x768x384xf32>
    %get3A_19 = vector.shape_cast %get3A_18 : vector<1x768x384xf32> to vector<768x384xf32>
    %dot_general3A_20 = arith.constant dense<0.000000e+00> : vector<128x768xf32>
    %dot_general3A_21 = tpu.matmul %mul3A_14, %get3A_19, %dot_general3A_20 {dimension_numbers = #tpu.dot_dimension_numbers<[1], [1], [0], [0], [0, 0, 1, 0], [], []>, transpose_lhs_hint = false} : vector<128x384xf32>, vector<768x384xf32>, vector<128x768xf32> -> vector<128x768xf32>
    %swap3A = arith.constant 0 : index
    %swap3A_22 = arith.constant 0 : index
    %swap3A_23 = vector.load %arg5[%swap3A, %swap3A_22] : memref<128x768xf32, #tpu.memory_space<vmem>>, vector<128x768xf32>
    tpu.vector_store %arg5[%swap3A, %swap3A_22], %dot_general3A_21 {strides = array<i32>} : memref<128x768xf32, #tpu.memory_space<vmem>>, vector<128x768xf32>,
    return
  }
  func.func @transform_0(%arg0: i32, %arg1: memref<48xi32, #tpu.memory_space<smem>>) -> (i32, i32) {
    %c0_i32 = arith.constant 0 : i32
    %c0_i32_0 = arith.constant 0 : i32
    return %arg0, %c0_i32 : i32, i32
  }
  func.func @transform_1(%arg0: i32, %arg1: memref<48xi32, #tpu.memory_space<smem>>) -> (i32, i32, i32) {
    %get3A = arith.index_cast %arg0 : i32 to index
    %get3A_0 = memref.load %arg1[%get3A] : memref<48xi32, #tpu.memory_space<smem>>
    %c0_i32 = arith.constant 0 : i32
    %c0_i32_1 = arith.constant 0 : i32
    %c0_i32_2 = arith.constant 0 : i32
    return %get3A_0, %c0_i32, %c0_i32_1 : i32, i32, i32
  }
  func.func @transform_2(%arg0: i32, %arg1: memref<48xi32, #tpu.memory_space<smem>>) -> (i32, i32, i32) {
    %get3A = arith.index_cast %arg0 : i32 to index
    %get3A_0 = memref.load %arg1[%get3A] : memref<48xi32, #tpu.memory_space<smem>>
    %c0_i32 = arith.constant 0 : i32
    %c0_i32_1 = arith.constant 0 : i32
    %c0_i32_2 = arith.constant 0 : i32
    return %get3A_0, %c0_i32, %c0_i32_1 : i32, i32, i32
  }
  func.func @transform_3(%arg0: i32, %arg1: memref<48xi32, #tpu.memory_space<smem>>) -> (i32, i32) {
    %c0_i32 = arith.constant 0 : i32
    %c0_i32_0 = arith.constant 0 : i32
    return %arg0, %c0_i32 : i32, i32
  }
}

module attributes {stable_mosaic.version = 14 : i64} {
  func.func @_final_body(%arg0: i32, %arg1: memref<256x768xf32, #tpu.memory_space<vmem>>, %arg2: memref<2048x768xf32, #tpu.memory_space<vmem>>, %arg3: memref<768x1024xf32, #tpu.memory_space<vmem>>, %arg4: memref<1x768xf32, #tpu.memory_space<vmem>>, %arg5: memref<256x768xf32, #tpu.memory_space<vmem>>, %arg6: memref<256x768xf32, #tpu.memory_space<vmem>>, %arg7: memref<256x128xf32, #tpu.memory_space<vmem>>, %arg8: memref<256x768xf32, #tpu.memory_space<vmem>>) attributes {dimension_semantics = [#tpu.dimension_semantics<arbitrary>], iteration_bounds = array<i64: 8>, scalar_prefetch = 0 : i64, scratch_operands = 0 : i64, tpu.core_type = #tpu.core_type<tc>, window_params = [{transform_indices = @transform_0, window_bounds = array<i64: 256, 768>}, {pipeline_mode = #tpu.pipeline_mode<synchronous>, transform_indices = @transform_1, window_bounds = array<i64: 2048, 768>}, {pipeline_mode = #tpu.pipeline_mode<synchronous>, transform_indices = @transform_2, window_bounds = array<i64: 768, 1024>}, {pipeline_mode = #tpu.pipeline_mode<synchronous>, transform_indices = @transform_3, window_bounds = array<i64: 1, 768>}, {transform_indices = @transform_4, window_bounds = array<i64: 256, 768>}, {transform_indices = @transform_5, window_bounds = array<i64: 256, 768>}, {transform_indices = @transform_6, window_bounds = array<i64: 256, 128>}, {transform_indices = @transform_7, window_bounds = array<i64: 256, 768>}]} {
    %get3A = arith.constant 0 : index
    %get3A_0 = arith.constant 0 : index
    %get3A_1 = vector.load %arg1[%get3A, %get3A_0] : memref<256x768xf32, #tpu.memory_space<vmem>>, vector<256x768xf32>
    %get3A_2 = arith.constant 0 : index
    %get3A_3 = arith.constant 0 : index
    %get3A_4 = vector.load %arg2[%get3A_2, %get3A_3] : memref<2048x768xf32, #tpu.memory_space<vmem>>, vector<2048x768xf32>
    %dot_general3A = arith.constant dense<0.000000e+00> : vector<256x2048xf32>
    %dot_general3A_5 = tpu.matmul %get3A_1, %get3A_4, %dot_general3A {dimension_numbers = #tpu.dot_dimension_numbers<[1], [1], [0], [0], [0, 0, 1, 0], [], []>, transpose_lhs_hint = false} : vector<256x768xf32>, vector<2048x768xf32>, vector<256x2048xf32> -> vector<256x2048xf32>
    %slice3A = vector.extract_strided_slice %dot_general3A_5 {offsets = [0, 0], sizes = [256, 1024], strides = [1, 1]} : vector<256x2048xf32> to vector<256x1024xf32>
    %slice3A_6 = vector.extract_strided_slice %dot_general3A_5 {offsets = [0, 1024], sizes = [256, 1024], strides = [1, 1]} : vector<256x2048xf32> to vector<256x1024xf32>
    %logistic3A = arith.negf %slice3A : vector<256x1024xf32>
    %logistic3A_7 = math.exp %logistic3A : vector<256x1024xf32>
    %logistic3A_8 = arith.constant 1.000000e+00 : f32
    %logistic3A_9 = vector.broadcast %logistic3A_8 : f32 to vector<256x1024xf32>
    %logistic3A_10 = arith.addf %logistic3A_9, %logistic3A_7 : vector<256x1024xf32>
    %logistic3A_11 = arith.divf %logistic3A_9, %logistic3A_10 : vector<256x1024xf32>
    %mul3A = arith.mulf %slice3A, %logistic3A_11 : vector<256x1024xf32>
    %mul3A_12 = arith.mulf %mul3A, %slice3A_6 : vector<256x1024xf32>
    %get3A_13 = arith.constant 0 : index
    %get3A_14 = arith.constant 0 : index
    %get3A_15 = vector.load %arg3[%get3A_13, %get3A_14] : memref<768x1024xf32, #tpu.memory_space<vmem>>, vector<768x1024xf32>
    %dot_general3A_16 = arith.constant dense<0.000000e+00> : vector<256x768xf32>
    %dot_general3A_17 = tpu.matmul %mul3A_12, %get3A_15, %dot_general3A_16 {dimension_numbers = #tpu.dot_dimension_numbers<[1], [1], [0], [0], [0, 0, 1, 0], [], []>, transpose_lhs_hint = false} : vector<256x1024xf32>, vector<768x1024xf32>, vector<256x768xf32> -> vector<256x768xf32>
    %get3A_18 = arith.constant 0 : index
    %get3A_19 = arith.constant 0 : index
    %get3A_20 = vector.load %arg4[%get3A_18, %get3A_19] : memref<1x768xf32, #tpu.memory_space<vmem>>, vector<1x768xf32>
    %dot_general3A_21 = arith.constant dense<0.000000e+00> : vector<256x1xf32>
    %dot_general3A_22 = tpu.matmul %get3A_1, %get3A_20, %dot_general3A_21 {dimension_numbers = #tpu.dot_dimension_numbers<[1], [1], [0], [0], [0, 0, 1, 0], [], []>, transpose_lhs_hint = false} : vector<256x768xf32>, vector<1x768xf32>, vector<256x1xf32> -> vector<256x1xf32>
    %logistic3A_23 = arith.negf %dot_general3A_22 : vector<256x1xf32>
    %logistic3A_24 = math.exp %logistic3A_23 : vector<256x1xf32>
    %logistic3A_25 = arith.constant 1.000000e+00 : f32
    %logistic3A_26 = vector.broadcast %logistic3A_25 : f32 to vector<256x1xf32>
    %logistic3A_27 = arith.addf %logistic3A_26, %logistic3A_24 : vector<256x1xf32>
    %logistic3A_28 = arith.divf %logistic3A_26, %logistic3A_27 : vector<256x1xf32>
    %get3A_29 = arith.constant 0 : index
    %get3A_30 = arith.constant 0 : index
    %get3A_31 = vector.load %arg7[%get3A_29, %get3A_30] : memref<256x128xf32, #tpu.memory_space<vmem>>, vector<256x128xf32>
    %mul3A_32 = vector.broadcast %logistic3A_28 : vector<256x1xf32> to vector<256x768xf32>
    %mul3A_33 = arith.mulf %mul3A_32, %dot_general3A_17 : vector<256x768xf32>
    %slice3A_34 = vector.extract_strided_slice %get3A_31 {offsets = [0, 0], sizes = [256, 1], strides = [1, 1]} : vector<256x128xf32> to vector<256x1xf32>
    %get3A_35 = arith.constant 0 : index
    %get3A_36 = arith.constant 0 : index
    %get3A_37 = vector.load %arg5[%get3A_35, %get3A_36] : memref<256x768xf32, #tpu.memory_space<vmem>>, vector<256x768xf32>
    %mul3A_38 = vector.broadcast %slice3A_34 : vector<256x1xf32> to vector<256x768xf32>
    %mul3A_39 = arith.mulf %mul3A_38, %get3A_37 : vector<256x768xf32>
    %add3A = arith.addf %mul3A_33, %mul3A_39 : vector<256x768xf32>
    %slice3A_40 = vector.extract_strided_slice %get3A_31 {offsets = [0, 1], sizes = [256, 1], strides = [1, 1]} : vector<256x128xf32> to vector<256x1xf32>
    %get3A_41 = arith.constant 0 : index
    %get3A_42 = arith.constant 0 : index
    %get3A_43 = vector.load %arg6[%get3A_41, %get3A_42] : memref<256x768xf32, #tpu.memory_space<vmem>>, vector<256x768xf32>
    %mul3A_44 = vector.broadcast %slice3A_40 : vector<256x1xf32> to vector<256x768xf32>
    %mul3A_45 = arith.mulf %mul3A_44, %get3A_43 : vector<256x768xf32>
    %add3A_46 = arith.addf %add3A, %mul3A_45 : vector<256x768xf32>
    %swap3A = arith.constant 0 : index
    %swap3A_47 = arith.constant 0 : index
    %swap3A_48 = vector.load %arg8[%swap3A, %swap3A_47] : memref<256x768xf32, #tpu.memory_space<vmem>>, vector<256x768xf32>
    tpu.vector_store %arg8[%swap3A, %swap3A_47], %add3A_46 {strides = array<i32>} : memref<256x768xf32, #tpu.memory_space<vmem>>, vector<256x768xf32>,
    return
  }
  func.func @transform_0(%arg0: i32) -> (i32, i32) {
    %c0_i32 = arith.constant 0 : i32
    %c0_i32_0 = arith.constant 0 : i32
    return %arg0, %c0_i32 : i32, i32
  }
  func.func @transform_1(%arg0: i32) -> (i32, i32) {
    %c0_i32 = arith.constant 0 : i32
    %c0_i32_0 = arith.constant 0 : i32
    %c0_i32_1 = arith.constant 0 : i32
    return %c0_i32, %c0_i32_0 : i32, i32
  }
  func.func @transform_2(%arg0: i32) -> (i32, i32) {
    %c0_i32 = arith.constant 0 : i32
    %c0_i32_0 = arith.constant 0 : i32
    %c0_i32_1 = arith.constant 0 : i32
    return %c0_i32, %c0_i32_0 : i32, i32
  }
  func.func @transform_3(%arg0: i32) -> (i32, i32) {
    %c0_i32 = arith.constant 0 : i32
    %c0_i32_0 = arith.constant 0 : i32
    %c0_i32_1 = arith.constant 0 : i32
    return %c0_i32, %c0_i32_0 : i32, i32
  }
  func.func @transform_4(%arg0: i32) -> (i32, i32) {
    %c0_i32 = arith.constant 0 : i32
    %c0_i32_0 = arith.constant 0 : i32
    return %arg0, %c0_i32 : i32, i32
  }
  func.func @transform_5(%arg0: i32) -> (i32, i32) {
    %add3A = arith.constant 8 : i32
    %add3A_0 = arith.addi %arg0, %add3A : i32
    %c0_i32 = arith.constant 0 : i32
    %c0_i32_1 = arith.constant 0 : i32
    return %add3A_0, %c0_i32 : i32, i32
  }
  func.func @transform_6(%arg0: i32) -> (i32, i32) {
    %c0_i32 = arith.constant 0 : i32
    %c0_i32_0 = arith.constant 0 : i32
    return %arg0, %c0_i32 : i32, i32
  }
  func.func @transform_7(%arg0: i32) -> (i32, i32) {
    %c0_i32 = arith.constant 0 : i32
    %c0_i32_0 = arith.constant 0 : i32
    return %arg0, %c0_i32 : i32, i32
  }
}

</mosaic_0001>

<sc_bundles>
// kernel: kernel.10.cloned.1.call-start
scs
__scs_entry_jumppad:
0x0: {  	(pc) =	sbr.rel $0x88, $3  }
0x1: {  	(tag) =	ssettag $0x0;
	lr =	simm.s32 $0x1  }
0x2: {  	[smem:$0x3F93] =	sst lr;
	_ =	strace $0xD0000000  }
0x3: {  	_ = 	snop  }
0x4: {  	_ = 	snop  }
0x5: {  	_ = 	snop  }
0x6: {  	_ = 	snop  }
0x7: {  	_ = 	snop  }
__scs_overlays_trampoline_lowered:
0x8: {  	[smem:$0x3FA2] =	sst s0  }
0x9: {  	[smem:$0x3FA3] =	sst s1  }
0xa: {  	[smem:$0x3FA4] =	sst s2  }
0xb: {  	[smem:$0x3FA5] =	sst s3  }
0xc: {  	[smem:$0x3FA6] =	sst s4  }
0xd: {  	[smem:$0x3FA7] =	sst s5  }
0xe: {  	[smem:$0x3FA8] =	sst s6  }
0xf: {  	[smem:$0x3FA9] =	sst s7  }
0x10: {  	[smem:$0x3FAA] =	sst s8  }
0x11: {  	[smem:$0x3FAB] =	sst s9;
	s0 =	simm.s32 @!p0 $0x0  }
0x12: {  	s1 =	sld [smem:$0x3F91];
	s0 =	simm.s32 @p0 $0x1  }
0x13: {  	[smem:$0x3FAC] =	sst s0;
	s0 =	simm.s32 @!p1 $0x0  }
0x14: {  	s2 =	sld [smem:$0x3F90];
	s0 =	simm.s32 @p1 $0x1  }
0x15: {  	[smem:$0x3FAD] =	sst s0;
	s0 =	simm.s32 @!p2 $0x0  }
0x16: {  	s3 =	sld [smem:$0x3FDB];
	s0 =	simm.s32 @p2 $0x1  }
0x17: {  	s4 =	simm.s32 $0x1BF5;
	[smem:$0x3FAF] =	sst s0  }
0x18: {  	s0 =	sld [smem:$0x3F92];
	_ =	swait.ge [sflag:s4], $0x0  }
0x19: {  	s7 =	sld [smem:$0x3F93]  }
0x1a: {  	s8 =	sadd.s32 $0xFFFFE003, lr  }
0x1b: {  	s9 =	sadd.s32 $0xFFFFFEF7, lr;
	s5 =	simm.s32 $0xFFFFFFFF;
	p2 =	slt.u32 s8, $0xFFFFF086  }
0x1c: {  	p1 =	slt.u32 s9, $0xF7A;
	s5 =	simm.s32 @!p2 $0x0  }
0x1d: {  	s5 =	simm.s32 @p1 $0x1;
	p0 =	seq.s32 s7, s2  }
0x1e: {  	s7 =	smul.u32 @!p0 $0xF7A, s2;
	p2 =	seq.s32 @!p0 s5, $0x0  }
0x1f: {  	s9 =	smul.u32 $0xF7A, s1;
	s8 =	simm.s32 @!p0 $0x1BF5;
	p2 =	por !p2, p0  }
0x20: {  	[sflag:s8] =	ssyncset.s32 @!p0 $0xFFFFF086;
	s6 =	sadd.s32 @!p0 s3, s7;
	s7 =	simm.s32 @!p0 $0x108  }
0x21: {  	s3 =	sadd.s32 s3, s9;
	s6 =	sadd.s32 @!p0 $0x88, s6;
	s7 =	simm.s32 @p2 $0x1082  }
0x22: {  	[simem:s7], [sflag:s8] =	dma.local @!p0 [hbm:s6], $0xF7A  }
0x23: {  	s9 =	sor.u32 $0xD0000000, s2;
	s6 =	simm.s32 $0x108;
	_ =	swait.ge @!p0 [sflag:s8], $0x0  }
0x24: {  	s3 =	sadd.s32 $0x88, s3;
	s6 =	simm.s32 @!p1 $0x1082;
	[sflag:s4] =	ssyncset.s32 $0xFFFFF086  }
0x25: {  	[simem:s6], [sflag:s4] =	dma.local [hbm:s3], $0xF7A  }
0x26: {  	[smem:$0x3F93] =	sst s1;
	(tag) =	ssettag s2;
	_ =	strace s9  }
0x27: {  	s1 =	sld [smem:$0x3FA3]  }
0x28: {  	s2 =	sld [smem:$0x3FA4]  }
0x29: {  	s4 =	sld [smem:$0x3FA6]  }
0x2a: {  	p0 =	seq.s32 s5, $0x0;
	s5 =	sld [smem:$0x3FA7]  }
0x2b: {  	s6 =	sld [smem:$0x3FA8]  }
0x2c: {  	s7 =	sld [smem:$0x3FA9]  }
0x2d: {  	s3 =	simm.s32 $0x108;
	s8 =	sld [smem:$0x3FAA]  }
0x2e: {  	s3 =	simm.s32 @!p0 $0x1082;
	s9 =	sld [smem:$0x3FAB]  }
0x2f: {  	lr =	sadd.s32 s0, s3;
	s0 =	sld [smem:$0x3FA2]  }
0x30: {  	s3 =	sld [smem:$0x3FA5]  }
0x31: {  	[smem:$0x3FAE] =	sst s10  }
0x32: {  	s10 =	sld [smem:$0x3FAC];
	_ =	sdelay $0x3  }
0x33: {  	p0 =	seq.s32 s10, $0x1;
	s10 =	sld [smem:$0x3FAE];
	_ =	sdelay $0x3  }
0x34: {  	[smem:$0x3FAE] =	sst s10  }
0x35: {  	s10 =	sld [smem:$0x3FAD];
	_ =	sdelay $0x3  }
0x36: {  	p1 =	seq.s32 s10, $0x1;
	s10 =	sld [smem:$0x3FAE];
	_ =	sdelay $0x3  }
0x37: {  	[smem:$0x3FAE] =	sst s10  }
0x38: {  	s10 =	sld [smem:$0x3FAF]  }
0x39: {  	_ = 	snop;
	(pc) =	sbr.ind lr, $3  }
0x3a: {  	_ = 	snop  }
0x3b: {  	_ = 	snop  }
0x3c: {  	p2 =	seq.s32 s10, $0x1;
	s10 =	sld [smem:$0x3FAE]  }
0x3d: {  	_ =	shalt  }
0x3e: {  	_ =	shalt  }
0x3f: {  	_ =	shalt  }
0x40: {  	_ =	shalt  }
0x41: {  	_ =	shalt  }
0x42: {  	_ =	shalt  }
0x43: {  	_ =	shalt  }
0x44: {  	_ =	shalt  }
0x45: {  	_ =	shalt  }
0x46: {  	_ =	shalt  }
0x47: {  	_ =	shalt  }
0x48: {  	_ =	shalt  }
0x49: {  	_ =	shalt  }
0x4a: {  	_ =	shalt  }
0x4b: {  	_ =	shalt  }
0x4c: {  	_ =	shalt  }
0x4d: {  	_ =	shalt  }
0x4e: {  	_ =	shalt  }
0x4f: {  	_ =	shalt  }
0x50: {  	_ =	shalt  }
0x51: {  	_ =	shalt  }
0x52: {  	_ =	shalt  }
0x53: {  	_ =	shalt  }
0x54: {  	_ =	shalt  }
0x55: {  	_ =	shalt  }
0x56: {  	_ =	shalt  }
0x57: {  	_ =	shalt  }
0x58: {  	_ =	shalt  }
0x59: {  	_ =	shalt  }
0x5a: {  	_ =	shalt  }
0x5b: {  	_ =	shalt  }
0x5c: {  	_ =	shalt  }
0x5d: {  	_ =	shalt  }
0x5e: {  	_ =	shalt  }
0x5f: {  	_ =	shalt  }
0x60: {  	_ =	shalt  }
0x61: {  	_ =	shalt  }
0x62: {  	_ =	shalt  }
0x63: {  	_ =	shalt  }
0x64: {  	_ =	shalt  }
0x65: {  	_ =	shalt  }
0x66: {  	_ =	shalt  }
0x67: {  	_ =	shalt  }
0x68: {  	_ =	shalt  }
0x69: {  	_ =	shalt  }
0x6a: {  	_ =	shalt  }
0x6b: {  	_ =	shalt  }
0x6c: {  	_ =	shalt  }
0x6d: {  	_ =	shalt  }
0x6e: {  	_ =	shalt  }
0x6f: {  	_ =	shalt  }
0x70: {  	_ =	shalt  }
0x71: {  	_ =	shalt  }
0x72: {  	_ =	shalt  }
0x73: {  	_ =	shalt  }
0x74: {  	_ =	shalt  }
0x75: {  	_ =	shalt  }
0x76: {  	_ =	shalt  }
0x77: {  	_ =	shalt  }
0x78: {  	_ =	shalt  }
0x79: {  	_ =	shalt  }
0x7a: {  	_ =	shalt  }
0x7b: {  	_ =	shalt  }
0x7c: {  	_ =	shalt  }
0x7d: {  	_ =	shalt  }
0x7e: {  	_ =	shalt  }
0x7f: {  	_ =	shalt  }
0x80: {  	_ =	shalt  }
0x81: {  	_ =	shalt  }
0x82: {  	_ =	shalt  }
0x83: {  	_ =	shalt  }
0x84: {  	_ =	shalt  }
0x85: {  	_ =	shalt  }
0x86: {  	_ =	shalt  }
0x87: {  	_ =	shalt  }
.Lfunc_end0:
.L_simem_size_0:
called_computation_lowered:
.L_overlay_start_0:
0x88: {  	s2 =	sld [smem:$0x3FD9]  }
0x89: {  	s3 =	sld [smem:$0x3FFE];
	_ =	sdelay $0x1  }
0x8a: {  	s1 =	srdreg.scid  }
0x8b: {  	s0 =	sand.u32 $0x1, s1  }
0x8c: {  	s14 =	sshll.u32 s0, $0xA;
	s2 =	sadd.s32 s3, s2  }
0x8d: {  	s2 =	sadd.s32 s2, s14  }
0x8e: {  	[smem:$0x3FBA] =	sst s2  }
0x8f: {  	_ = 	snop  }
0x90: {  	s2 =	sld [smem:$0x3FD0];
	_ =	sdelay $0x2  }
0x91: {  	s15 =	simm.s32 $0xA;
	s4 =	simm.s32 $0x10  }
0x92: {  	[smem:s4], [sflag:s15] =	dma.local [hbm:s2], $0x1  }
0x93: {  	_ =	swait.eq [sflag:s15], $0x1  }
0x94: {  	[sflag:s15] =	ssyncset.done $0x0  }
0x95: {  	[sflag:s15] =	ssyncadd.s32 $0xFFFFFFFF  }
0x96: {  	s16 =	sld [smem:$0x10];
	(tm) =	ssettm $0x1  }
0x97: {  	s17 =	sld [smem:$0x3FFB];
	_ =	sdelay $0x3  }
0x98: {  	_ =	strace s17  }
0x99: {  	s3 =	sld [smem:$0x3FFC];
	_ =	sdelay $0x3  }
0x9a: {  	_ =	strace s3  }
0x9b: {  	s3 =	sld [smem:$0x3FFD];
	_ =	sdelay $0x3  }
0x9c: {  	_ =	strace s3  }
0x9d: {  	_ =	strace $0x8FFFFFFF  }
0x9e: {  	s18 =	sld [smem:$0x3FDB];
	_ =	sdelay $0x1  }
0x9f: {  	s19 =	simm.s32 $_scs_section_size  }
0xa0: {  	s5 =	simm.s32 $_size__tile_overlayer_lowered;
	s6 =	simm.s32 $_tile_overlayer_lowered  }
0xa1: {  	s22 =	simm.s32 $0x1BFF;
	s21 =	sshll.u32 s6, $0x1;
	s3 =	sadd.s32 s19, s18  }
0xa2: {  	s7 =	simm.s32 $0x0;
	s20 =	sshll.u32 s5, $0x1;
	s5 =	sadd.s32 s21, s3  }
0xa3: {  	[timem:s7], [sflag:s22] =	dma.local [hbm:s5], s20  }
0xa4: {  	_ =	swait.ge [sflag:s22], s20  }
0xa5: {  	s4 =	ssub.s32 $0x0, s20;
	[sflag:s22] =	ssyncset.done $0x0  }
0xa6: {  	[sflag:s22] =	ssyncadd.s32 s4;
	_ =	sdelay $0x1  }
0xa7: {  	s23 =	simm.s32 $0x1B8B  }
0xa8: {  	_ =	swait.ge [sflag:s23], $0x1  }
0xa9: {  	[sflag:s23] =	ssyncset.done $0x0  }
0xaa: {  	s25 =	simm.s32 $0x1B8E;
	s24 =	sld [smem:$0x3FFE];
	[sflag:s23] =	ssyncadd.s32 $0xFFFFFFFF  }
0xab: {  	s26 =	simm.s32 $execute0_lowered;
	[smem:$0x3FD2] =	sst s25  }
0xac: {  	s5 =	sshll.u32 s26, $0x1;
	_ =	strace $0x80000046;
	[dreg:$0x1] =	wrdreg $0xFFFFFFFF  }
0xad: {  	s28 =	simm.s32 $_size_execute0_lowered;
	s3 =	sadd.s32 s3, s5;
	[dreg:$0x0] =	wrdreg $0x0  }
0xae: {  	s5 =	sshll.u32 s28, $0x1;
	[dreg:$0x2] =	wrdreg s3  }
0xaf: {  	[dreg:$0x3] =	wrdreg s5  }
0xb0: {  	[dreg:$0x4] =	wrdreg $0xC0  }
0xb1: {  	_ =	task [dreg:s7], $0x5FFFF  }
0xb2: {  	[dreg:$0x1] =	wrdreg $0xFFFFFFFF  }
0xb3: {  	[dreg:$0x0] =	wrdreg $0x60  }
0xb4: {  	[dreg:$0x2] =	wrdreg s16  }
0xb5: {  	[dreg:$0x3] =	wrdreg s24  }
0xb6: {  	[dreg:$0x4] =	wrdreg $0x9  }
0xb7: {  	_ =	task.clear_ibuf [dreg:s7], $0x5FFFF;
	_ =	strace $0x90000046  }
0xb8: {  	s29 =	simm.s32 $0x9;
	_ =	strace $0x80000048  }
0xb9: {  	_ =	swait.ge [sflag:s29], $0x1  }
0xba: {  	[sflag:s29] =	ssyncadd.s32 $0xFFFFFFFF  }
0xbb: {  	_ =	strace $0x90000048  }
0xbc: {  	_ =	sfence  }
0xbd: {  	s30 =	sld [smem:$0x0];
	_ =	sdelay $0x2  }
0xbe: {  	s31 =	sshll.u32 s1, $0xD;
	s1 =	sshrl.u32 s1, $0x2  }
0xbf: {  	s3 =	sand.u32 $0x4000, s31;
	s1 =	sadd.s32 s1, s30  }
0xc0: {  	s0 =	sor.u32 s3, s0;
	s1 =	sshll.u32 s1, $0x11  }
0xc1: {  	s0 =	sor.u32 s1, s0  }
0xc2: {  	s0 =	sadd.s32 $0x8F2B, s0  }
0xc3: {  	[sflag:s0] =	ssyncadd.remote.s32 $0x1  }
0xc4: {  	_ =	sfence.sel $0xFFFF  }
0xc5: {  	[dreg:$0x0] =	wrdreg $0xFFFFFFFF;
	(pc) =	sbr.abs _section_cstart, $3  }
0xc6: {  	[dreg:$0x1] =	wrdreg $0xFFFFFFFF  }
0xc7: {  	_ =	task.clear_ibuf [dreg:s7], $0x2FFFF;
	_ =	strace $0x9FFFFFFF  }
0xc8: {  	(tm) =	ssettm $0x7FFFFFFF  }
0xc9: {  	_ =	shalt  }
tec
execute0_lowered:
.L_overlay_start_1:
0x0: {  	(tag) =	ssettag $0x1  }
0x1: {  	s0 =	srdreg.scid;
	s2 =	rddreg [dreg:$0x0]  }
0x2: {  	s1 =	stileid.u32;
	s4 =	rddreg [dreg:$0x1]  }
0x3: {  	s3 =	simm.s32 $0x0;
	s8 =	simm.s32 $0x2;
	s21 =	simm.s32 $0x1  }
0x4: {  	s28 =	simm.s32 $0x2880;
	s29 =	simm.s32 $0x3080;
	s30 =	simm.s32 $0x3880  }
0x5: {  	s31 =	simm.s32 $0x4080;
	s10 =	simm.s32 $0x6080;
	s11 =	simm.s32 $0x6880  }
0x6: {  	s12 =	simm.s32 $0x7080;
	s13 =	simm.s32 $0x7880;
	s14 =	simm.s32 $0x8080  }
0x7: {  	s15 =	simm.s32 $0x8880;
	s16 =	simm.s32 $0x9080;
	s17 =	simm.s32 $0x9880  }
0x8: {  	s18 =	simm.s32 $0xA080;
	s0 =	sand.u32 $0x1, s0;
	s1 =	sshll.u32 s1, $0x1  }
0x9: {  	s19 =	simm.s32 $0xA880;
	s20 =	simm.s32 $0xB080;
	s1 =	sor.u32 s0, s1  }
0xa: {  	[smem:$0x7FF] =	sst s3;
	s0 =	ssub.s32 $0x2, s0;
	s1 =	smul.u32 $0xC0, s1  }
0xb: {  	s9 =	simm.s32 $0xB880;
	_ =	strace $0x80000047;
	s24 =	sshrl.u32 s0, $0x1  }
0xc: {  	s0 =	ssub.s32 s0, s24;
	s24 =	simm.s32 $0x1080;
	s1 =	sshrl.u32 s1, $0x3  }
0xd: {  	s7 =	smax.u32 s0, $0x1;
	s5 =	smul.u32 $0x300, s1;
	s6 =	sadd.s32 s4, s1  }
0xe: {  	s1 =	simm.s32 $0x4880;
	[dreg:$0x6] =	wrdreg s6;
	s25 =	sadd.s32 $0xC, s6  }
0xf: {  	s6 =	sadd.s32 $0x200, s2;
	s5 =	sadd.s32 s5, s4;
	[dreg:$0x4] =	wrdreg s25  }
0x10: {  	v2 =	vlaneseq.u32;
	s25 =	simm.s32 $0x1880;
	s4 =	simm.s32 $0x5880;
	s23 =	sadd.s32 $0x400, s5  }
0x11: {  	vm0 =	vmmov $0xffff;
	v1 =	vshrl.u32 v2, $0x3;
	s26 =	sadd.s32 $0x2800, s5;
	s5 =	sadd.s32 $0x100, s2;
	[dreg:$0x3] =	wrdreg s23  }
0x12: {  	v0 =	vand.u32 $0x7, v2;
	v2 =	vor.u32 $0x8, v2;
	v1 =	vmul.u32 $0x8, v1;
	[dreg:$0x5] =	wrdreg s26;
	s23 =	simm.s32 $0x880;
	s26 =	simm.s32 $0x2080  }
.LBB2_1:
0x13: {  	s22 =	rddreg [dreg:$0x6]  }
0x14: {  	[tilespmem:s3], [sflag:$0x2] =	stream.linear.gather [hbm4b:s22+s3], $0x60, $0x38;
	[tilespmem:$0x12080] =	vst v63  }
0x15: {  	_ =	swait.ge [sflag:s8], $0x60  }
0x16: {  	[sflag:s8] =	ssyncset.done $0x0  }
0x17: {  	[sflag:s8] =	ssyncadd.s32 $0xFFFFFFA0  }
0x18: {  	v3 =	vld [tilespmem:$0x0];
	_ =	sdelay $0x4  }
0x19: {  	v4 =	vshrl.u32 v3, $0x3  }
0x1a: {  	v4 =	vmul.u32 $0x30, v4  }
0x1b: {  	v3 =	vand.u32 $0x7, v3  }
0x1c: {  	v3 =	vor.u32 v3, v4  }
0x1d: {  	v4 =	vperm.xlane v3, v0;
	_ =	sdelay $0x1  }
0x1e: {  	v4 =	vadd.s32 v1, v4;
	_ =	sdelay $0x3  }
0x1f: {  	s0 =	simm.s32 $0x80;
	v3 =	vperm.xlane v3, v2  }
0x20: {  	[tilespmem:s0], [sflag:$0x1] =	stream.indirect_vreg.gather [hbm4b:s2+s3], $0x80, v4, vm0, $0xb8;
	[tilespmem:$0x12080] =	vst v63  }
0x21: {  	v3 =	vadd.s32 v1, v3  }
0x22: {  	[tilespmem:s23], [sflag:$0x1] =	stream.indirect_vreg.gather [hbm4b:s5+s3], $0x80, v4, vm0, $0xb8;
	[tilespmem:$0x12080] =	vst v63  }
0x23: {  	_ = 	snop  }
0x24: {  	[tilespmem:s24], [sflag:$0x1] =	stream.indirect_vreg.gather [hbm4b:s6+s3], $0x80, v4, vm0, $0xb8;
	[tilespmem:$0x12080] =	vst v63  }
0x25: {  	_ = 	snop  }
0x26: {  	[tilespmem:s25], [sflag:$0x1] =	stream.indirect_vreg.gather [hbm4b:s2+s3], $0x80, v3, vm0, $0xb8;
	[tilespmem:$0x12080] =	vst v63  }
0x27: {  	_ = 	snop  }
0x28: {  	[tilespmem:s26], [sflag:$0x1] =	stream.indirect_vreg.gather [hbm4b:s5+s3], $0x80, v3, vm0, $0xb8;
	[tilespmem:$0x12080] =	vst v63  }
0x29: {  	_ = 	snop  }
0x2a: {  	[tilespmem:s28], [sflag:$0x1] =	stream.indirect_vreg.gather [hbm4b:s6+s3], $0x80, v3, vm0, $0xb8;
	[tilespmem:$0x12080] =	vst v63  }
0x2b: {  	v3 =	vld [tilespmem:$0x10];
	_ =	sdelay $0x4  }
0x2c: {  	v53 =	vshrl.u32 v3, $0x3  }
0x2d: {  	v4 =	vmul.u32 $0x30, v53  }
0x2e: {  	v3 =	vand.u32 $0x7, v3  }
0x2f: {  	v3 =	vor.u32 v3, v4  }
0x30: {  	v4 =	vperm.xlane v3, v0;
	_ =	sdelay $0x1  }
0x31: {  	v4 =	vadd.s32 v1, v4;
	_ =	sdelay $0x3  }
0x32: {  	v3 =	vperm.xlane v3, v2  }
0x33: {  	[tilespmem:s29], [sflag:$0x1] =	stream.indirect_vreg.gather [hbm4b:s2+s3], $0x80, v4, vm0, $0xb8;
	[tilespmem:$0x12080] =	vst v63  }
0x34: {  	v3 =	vadd.s32 v1, v3  }
0x35: {  	[tilespmem:s30], [sflag:$0x1] =	stream.indirect_vreg.gather [hbm4b:s5+s3], $0x80, v4, vm0, $0xb8;
	[tilespmem:$0x12080] =	vst v63  }
0x36: {  	_ = 	snop  }
0x37: {  	[tilespmem:s31], [sflag:$0x1] =	stream.indirect_vreg.gather [hbm4b:s6+s3], $0x80, v4, vm0, $0xb8;
	[tilespmem:$0x12080] =	vst v63  }
0x38: {  	_ = 	snop  }
0x39: {  	[tilespmem:s1], [sflag:$0x1] =	stream.indirect_vreg.gather [hbm4b:s2+s3], $0x80, v3, vm0, $0xb8;
	[tilespmem:$0x12080] =	vst v63  }
0x3a: {  	s22 =	simm.s32 $0x5080  }
0x3b: {  	[tilespmem:s22], [sflag:$0x1] =	stream.indirect_vreg.gather [hbm4b:s5+s3], $0x80, v3, vm0, $0xb8;
	[tilespmem:$0x12080] =	vst v63  }
0x3c: {  	_ = 	snop  }
0x3d: {  	[tilespmem:s4], [sflag:$0x1] =	stream.indirect_vreg.gather [hbm4b:s6+s3], $0x80, v3, vm0, $0xb8;
	[tilespmem:$0x12080] =	vst v63  }
0x3e: {  	v3 =	vld [tilespmem:$0x20];
	_ =	sdelay $0x4  }
0x3f: {  	v54 =	vshrl.u32 v3, $0x3  }
0x40: {  	v4 =	vmul.u32 $0x30, v54  }
0x41: {  	v3 =	vand.u32 $0x7, v3  }
0x42: {  	v3 =	vor.u32 v3, v4  }
0x43: {  	v4 =	vperm.xlane v3, v0;
	_ =	sdelay $0x1  }
0x44: {  	v4 =	vadd.s32 v1, v4;
	_ =	sdelay $0x3  }
0x45: {  	v3 =	vperm.xlane v3, v2  }
0x46: {  	[tilespmem:s10], [sflag:$0x1] =	stream.indirect_vreg.gather [hbm4b:s2+s3], $0x80, v4, vm0, $0xb8;
	[tilespmem:$0x12080] =	vst v63  }
0x47: {  	v3 =	vadd.s32 v1, v3  }
0x48: {  	[tilespmem:s11], [sflag:$0x1] =	stream.indirect_vreg.gather [hbm4b:s5+s3], $0x80, v4, vm0, $0xb8;
	[tilespmem:$0x12080] =	vst v63  }
0x49: {  	_ = 	snop  }
0x4a: {  	[tilespmem:s12], [sflag:$0x1] =	stream.indirect_vreg.gather [hbm4b:s6+s3], $0x80, v4, vm0, $0xb8;
	[tilespmem:$0x12080] =	vst v63  }
0x4b: {  	_ = 	snop  }
0x4c: {  	[tilespmem:s13], [sflag:$0x1] =	stream.indirect_vreg.gather [hbm4b:s2+s3], $0x80, v3, vm0, $0xb8;
	[tilespmem:$0x12080] =	vst v63  }
0x4d: {  	_ = 	snop  }
0x4e: {  	[tilespmem:s14], [sflag:$0x1] =	stream.indirect_vreg.gather [hbm4b:s5+s3], $0x80, v3, vm0, $0xb8;
	[tilespmem:$0x12080] =	vst v63  }
0x4f: {  	_ = 	snop  }
0x50: {  	[tilespmem:s15], [sflag:$0x1] =	stream.indirect_vreg.gather [hbm4b:s6+s3], $0x80, v3, vm0, $0xb8;
	[tilespmem:$0x12080] =	vst v63  }
0x51: {  	v3 =	vld [tilespmem:$0x30];
	_ =	sdelay $0x4  }
0x52: {  	v55 =	vshrl.u32 v3, $0x3  }
0x53: {  	v4 =	vmul.u32 $0x30, v55  }
0x54: {  	v3 =	vand.u32 $0x7, v3  }
0x55: {  	v3 =	vor.u32 v3, v4  }
0x56: {  	v4 =	vperm.xlane v3, v0;
	_ =	sdelay $0x1  }
0x57: {  	v4 =	vadd.s32 v1, v4;
	_ =	sdelay $0x3  }
0x58: {  	v3 =	vperm.xlane v3, v2  }
0x59: {  	[tilespmem:s16], [sflag:$0x1] =	stream.indirect_vreg.gather [hbm4b:s2+s3], $0x80, v4, vm0, $0xb8;
	[tilespmem:$0x12080] =	vst v63  }
0x5a: {  	v3 =	vadd.s32 v1, v3  }
0x5b: {  	[tilespmem:s17], [sflag:$0x1] =	stream.indirect_vreg.gather [hbm4b:s5+s3], $0x80, v4, vm0, $0xb8;
	[tilespmem:$0x12080] =	vst v63  }
0x5c: {  	_ = 	snop  }
0x5d: {  	[tilespmem:s18], [sflag:$0x1] =	stream.indirect_vreg.gather [hbm4b:s6+s3], $0x80, v4, vm0, $0xb8;
	[tilespmem:$0x12080] =	vst v63  }
0x5e: {  	_ = 	snop  }
0x5f: {  	[tilespmem:s19], [sflag:$0x1] =	stream.indirect_vreg.gather [hbm4b:s2+s3], $0x80, v3, vm0, $0xb8;
	[tilespmem:$0x12080] =	vst v63  }
0x60: {  	_ = 	snop  }
0x61: {  	[tilespmem:s20], [sflag:$0x1] =	stream.indirect_vreg.gather [hbm4b:s5+s3], $0x80, v3, vm0, $0xb8;
	[tilespmem:$0x12080] =	vst v63  }
0x62: {  	_ = 	snop  }
0x63: {  	[tilespmem:s9], [sflag:$0x1] =	stream.indirect_vreg.gather [hbm4b:s6+s3], $0x80, v3, vm0, $0xb8;
	[tilespmem:$0x12080] =	vst v63  }
0x64: {  	v3 =	vld [tilespmem:$0x40];
	_ =	sdelay $0x4  }
0x65: {  	v56 =	vshrl.u32 v3, $0x3  }
0x66: {  	v4 =	vmul.u32 $0x30, v56  }
0x67: {  	v3 =	vand.u32 $0x7, v3  }
0x68: {  	v3 =	vor.u32 v3, v4  }
0x69: {  	v4 =	vperm.xlane v3, v0;
	_ =	sdelay $0x1  }
0x6a: {  	v4 =	vadd.s32 v1, v4;
	_ =	sdelay $0x3  }
0x6b: {  	s22 =	simm.s32 $0xC080;
	v3 =	vperm.xlane v3, v2  }
0x6c: {  	[tilespmem:s22], [sflag:$0x1] =	stream.indirect_vreg.gather [hbm4b:s2+s3], $0x80, v4, vm0, $0xb8;
	[tilespmem:$0x12080] =	vst v63  }
0x6d: {  	v3 =	vadd.s32 v1, v3;
	s22 =	simm.s32 $0xC880  }
0x6e: {  	[tilespmem:s22], [sflag:$0x1] =	stream.indirect_vreg.gather [hbm4b:s5+s3], $0x80, v4, vm0, $0xb8;
	[tilespmem:$0x12080] =	vst v63  }
0x6f: {  	s22 =	simm.s32 $0xD080  }
0x70: {  	[tilespmem:s22], [sflag:$0x1] =	stream.indirect_vreg.gather [hbm4b:s6+s3], $0x80, v4, vm0, $0xb8;
	[tilespmem:$0x12080] =	vst v63  }
0x71: {  	s22 =	simm.s32 $0xD880  }
0x72: {  	[tilespmem:s22], [sflag:$0x1] =	stream.indirect_vreg.gather [hbm4b:s2+s3], $0x80, v3, vm0, $0xb8;
	[tilespmem:$0x12080] =	vst v63  }
0x73: {  	s22 =	simm.s32 $0xE080  }
0x74: {  	[tilespmem:s22], [sflag:$0x1] =	stream.indirect_vreg.gather [hbm4b:s5+s3], $0x80, v3, vm0, $0xb8;
	[tilespmem:$0x12080] =	vst v63  }
0x75: {  	s22 =	simm.s32 $0xE880  }
0x76: {  	[tilespmem:s22], [sflag:$0x1] =	stream.indirect_vreg.gather [hbm4b:s6+s3], $0x80, v3, vm0, $0xb8;
	[tilespmem:$0x12080] =	vst v63  }
0x77: {  	v3 =	vld [tilespmem:$0x50];
	_ =	sdelay $0x4  }
0x78: {  	v57 =	vshrl.u32 v3, $0x3  }
0x79: {  	v4 =	vmul.u32 $0x30, v57  }
0x7a: {  	v3 =	vand.u32 $0x7, v3  }
0x7b: {  	v3 =	vor.u32 v3, v4  }
0x7c: {  	v4 =	vperm.xlane v3, v0;
	_ =	sdelay $0x1  }
0x7d: {  	v4 =	vadd.s32 v1, v4;
	_ =	sdelay $0x3  }
0x7e: {  	s22 =	simm.s32 $0xF080;
	v3 =	vperm.xlane v3, v2  }
0x7f: {  	[tilespmem:s22], [sflag:$0x1] =	stream.indirect_vreg.gather [hbm4b:s2+s3], $0x80, v4, vm0, $0xb8;
	[tilespmem:$0x12080] =	vst v63  }
0x80: {  	v3 =	vadd.s32 v1, v3;
	s22 =	simm.s32 $0xF880  }
0x81: {  	[tilespmem:s22], [sflag:$0x1] =	stream.indirect_vreg.gather [hbm4b:s5+s3], $0x80, v4, vm0, $0xb8;
	[tilespmem:$0x12080] =	vst v63  }
0x82: {  	s22 =	simm.s32 $0x10080  }
0x83: {  	[tilespmem:s22], [sflag:$0x1] =	stream.indirect_vreg.gather [hbm4b:s6+s3], $0x80, v4, vm0, $0xb8;
	[tilespmem:$0x12080] =	vst v63  }
0x84: {  	s22 =	simm.s32 $0x10880  }
0x85: {  	[tilespmem:s22], [sflag:$0x1] =	stream.indirect_vreg.gather [hbm4b:s2+s3], $0x80, v3, vm0, $0xb8;
	[tilespmem:$0x12080] =	vst v63  }
0x86: {  	s22 =	simm.s32 $0x11080  }
0x87: {  	[tilespmem:s22], [sflag:$0x1] =	stream.indirect_vreg.gather [hbm4b:s5+s3], $0x80, v3, vm0, $0xb8;
	[tilespmem:$0x12080] =	vst v63  }
0x88: {  	s22 =	simm.s32 $0x11880  }
0x89: {  	[tilespmem:s22], [sflag:$0x1] =	stream.indirect_vreg.gather [hbm4b:s6+s3], $0x80, v3, vm0, $0xb8;
	[tilespmem:$0x12080] =	vst v63  }
0x8a: {  	_ =	swait.ge [sflag:s21], $0x12000  }
0x8b: {  	[sflag:s21] =	ssyncset.done $0x0  }
0x8c: {  	s0 =	simm.s32 $0x80;
	s22 =	rddreg [dreg:$0x3];
	[sflag:s21] =	ssyncadd.s32 $0xFFFEE000  }
0x8d: {  	[hbm4b:s22+s3] =	stream.linear.scatter [tilespmem:s0], [sflag:$0x2], $0x12000, $0x38;
	[tilespmem:$0x12080] =	vst v63  }
0x8e: {  	_ =	swait.ge [sflag:s8], $0x12000  }
0x8f: {  	[sflag:s8] =	ssyncset.done $0x0  }
0x90: {  	s22 =	rddreg [dreg:$0x4];
	[sflag:s8] =	ssyncadd.s32 $0xFFFEE000  }
0x91: {  	[tilespmem:s3], [sflag:$0x2] =	stream.linear.gather [hbm4b:s22+s3], $0x60, $0x38;
	[tilespmem:$0x12080] =	vst v63  }
0x92: {  	_ =	swait.ge [sflag:s8], $0x60  }
0x93: {  	[sflag:s8] =	ssyncset.done $0x0  }
0x94: {  	[sflag:s8] =	ssyncadd.s32 $0xFFFFFFA0  }
0x95: {  	v3 =	vld [tilespmem:$0x0];
	_ =	sdelay $0x4  }
0x96: {  	v58 =	vshrl.u32 v3, $0x3  }
0x97: {  	v4 =	vmul.u32 $0x30, v58  }
0x98: {  	v3 =	vand.u32 $0x7, v3  }
0x99: {  	v3 =	vor.u32 v3, v4  }
0x9a: {  	v4 =	vperm.xlane v3, v0;
	_ =	sdelay $0x1  }
0x9b: {  	v4 =	vadd.s32 v1, v4;
	_ =	sdelay $0x3  }
0x9c: {  	v3 =	vperm.xlane v3, v2  }
0x9d: {  	[tilespmem:s0], [sflag:$0x1] =	stream.indirect_vreg.gather [hbm4b:s2+s3], $0x80, v4, vm0, $0xb8;
	[tilespmem:$0x12080] =	vst v63  }
0x9e: {  	v3 =	vadd.s32 v1, v3  }
0x9f: {  	[tilespmem:s23], [sflag:$0x1] =	stream.indirect_vreg.gather [hbm4b:s5+s3], $0x80, v4, vm0, $0xb8;
	[tilespmem:$0x12080] =	vst v63  }
0xa0: {  	_ = 	snop  }
0xa1: {  	[tilespmem:s24], [sflag:$0x1] =	stream.indirect_vreg.gather [hbm4b:s6+s3], $0x80, v4, vm0, $0xb8;
	[tilespmem:$0x12080] =	vst v63  }
0xa2: {  	_ = 	snop  }
0xa3: {  	[tilespmem:s25], [sflag:$0x1] =	stream.indirect_vreg.gather [hbm4b:s2+s3], $0x80, v3, vm0, $0xb8;
	[tilespmem:$0x12080] =	vst v63  }
0xa4: {  	_ = 	snop  }
0xa5: {  	[tilespmem:s26], [sflag:$0x1] =	stream.indirect_vreg.gather [hbm4b:s5+s3], $0x80, v3, vm0, $0xb8;
	[tilespmem:$0x12080] =	vst v63  }
0xa6: {  	_ = 	snop  }
0xa7: {  	[tilespmem:s28], [sflag:$0x1] =	stream.indirect_vreg.gather [hbm4b:s6+s3], $0x80, v3, vm0, $0xb8;
	[tilespmem:$0x12080] =	vst v63  }
0xa8: {  	v3 =	vld [tilespmem:$0x10];
	_ =	sdelay $0x4  }
0xa9: {  	v59 =	vshrl.u32 v3, $0x3  }
0xaa: {  	v4 =	vmul.u32 $0x30, v59  }
0xab: {  	v3 =	vand.u32 $0x7, v3  }
0xac: {  	v3 =	vor.u32 v3, v4  }
0xad: {  	v4 =	vperm.xlane v3, v0;
	_ =	sdelay $0x1  }
0xae: {  	v4 =	vadd.s32 v1, v4;
	_ =	sdelay $0x3  }
0xaf: {  	v3 =	vperm.xlane v3, v2  }
0xb0: {  	[tilespmem:s29], [sflag:$0x1] =	stream.indirect_vreg.gather [hbm4b:s2+s3], $0x80, v4, vm0, $0xb8;
	[tilespmem:$0x12080] =	vst v63  }
0xb1: {  	v3 =	vadd.s32 v1, v3  }
0xb2: {  	[tilespmem:s30], [sflag:$0x1] =	stream.indirect_vreg.gather [hbm4b:s5+s3], $0x80, v4, vm0, $0xb8;
	[tilespmem:$0x12080] =	vst v63  }
0xb3: {  	_ = 	snop  }
0xb4: {  	[tilespmem:s31], [sflag:$0x1] =	stream.indirect_vreg.gather [hbm4b:s6+s3], $0x80, v4, vm0, $0xb8;
	[tilespmem:$0x12080] =	vst v63  }
0xb5: {  	_ = 	snop  }
0xb6: {  	[tilespmem:s1], [sflag:$0x1] =	stream.indirect_vreg.gather [hbm4b:s2+s3], $0x80, v3, vm0, $0xb8;
	[tilespmem:$0x12080] =	vst v63  }
0xb7: {  	s22 =	simm.s32 $0x5080  }
0xb8: {  	[tilespmem:s22], [sflag:$0x1] =	stream.indirect_vreg.gather [hbm4b:s5+s3], $0x80, v3, vm0, $0xb8;
	[tilespmem:$0x12080] =	vst v63  }
0xb9: {  	_ = 	snop  }
0xba: {  	[tilespmem:s4], [sflag:$0x1] =	stream.indirect_vreg.gather [hbm4b:s6+s3], $0x80, v3, vm0, $0xb8;
	[tilespmem:$0x12080] =	vst v63  }
0xbb: {  	v3 =	vld [tilespmem:$0x20];
	_ =	sdelay $0x4  }
0xbc: {  	v60 =	vshrl.u32 v3, $0x3  }
0xbd: {  	v4 =	vmul.u32 $0x30, v60  }
0xbe: {  	v3 =	vand.u32 $0x7, v3  }
0xbf: {  	v3 =	vor.u32 v3, v4  }
0xc0: {  	v4 =	vperm.xlane v3, v0;
	_ =	sdelay $0x1  }
0xc1: {  	v4 =	vadd.s32 v1, v4;
	_ =	sdelay $0x3  }
0xc2: {  	v3 =	vperm.xlane v3, v2  }
0xc3: {  	[tilespmem:s10], [sflag:$0x1] =	stream.indirect_vreg.gather [hbm4b:s2+s3], $0x80, v4, vm0, $0xb8;
	[tilespmem:$0x12080] =	vst v63  }
0xc4: {  	v3 =	vadd.s32 v1, v3  }
0xc5: {  	[tilespmem:s11], [sflag:$0x1] =	stream.indirect_vreg.gather [hbm4b:s5+s3], $0x80, v4, vm0, $0xb8;
	[tilespmem:$0x12080] =	vst v63  }
0xc6: {  	_ = 	snop  }
0xc7: {  	[tilespmem:s12], [sflag:$0x1] =	stream.indirect_vreg.gather [hbm4b:s6+s3], $0x80, v4, vm0, $0xb8;
	[tilespmem:$0x12080] =	vst v63  }
0xc8: {  	_ = 	snop  }
0xc9: {  	[tilespmem:s13], [sflag:$0x1] =	stream.indirect_vreg.gather [hbm4b:s2+s3], $0x80, v3, vm0, $0xb8;
	[tilespmem:$0x12080] =	vst v63  }
0xca: {  	_ = 	snop  }
0xcb: {  	[tilespmem:s14], [sflag:$0x1] =	stream.indirect_vreg.gather [hbm4b:s5+s3], $0x80, v3, vm0, $0xb8;
	[tilespmem:$0x12080] =	vst v63  }
0xcc: {  	_ = 	snop  }
0xcd: {  	[tilespmem:s15], [sflag:$0x1] =	stream.indirect_vreg.gather [hbm4b:s6+s3], $0x80, v3, vm0, $0xb8;
	[tilespmem:$0x12080] =	vst v63  }
0xce: {  	v3 =	vld [tilespmem:$0x30];
	_ =	sdelay $0x4  }
0xcf: {  	v61 =	vshrl.u32 v3, $0x3  }
0xd0: {  	v4 =	vmul.u32 $0x30, v61  }
0xd1: {  	v3 =	vand.u32 $0x7, v3  }
0xd2: {  	v3 =	vor.u32 v3, v4  }
0xd3: {  	v4 =	vperm.xlane v3, v0;
	_ =	sdelay $0x1  }
0xd4: {  	v4 =	vadd.s32 v1, v4;
	_ =	sdelay $0x3  }
0xd5: {  	v3 =	vperm.xlane v3, v2  }
0xd6: {  	[tilespmem:s16], [sflag:$0x1] =	stream.indirect_vreg.gather [hbm4b:s2+s3], $0x80, v4, vm0, $0xb8;
	[tilespmem:$0x12080] =	vst v63  }
0xd7: {  	v3 =	vadd.s32 v1, v3  }
0xd8: {  	[tilespmem:s17], [sflag:$0x1] =	stream.indirect_vreg.gather [hbm4b:s5+s3], $0x80, v4, vm0, $0xb8;
	[tilespmem:$0x12080] =	vst v63  }
0xd9: {  	_ = 	snop  }
0xda: {  	[tilespmem:s18], [sflag:$0x1] =	stream.indirect_vreg.gather [hbm4b:s6+s3], $0x80, v4, vm0, $0xb8;
	[tilespmem:$0x12080] =	vst v63  }
0xdb: {  	_ = 	snop  }
0xdc: {  	[tilespmem:s19], [sflag:$0x1] =	stream.indirect_vreg.gather [hbm4b:s2+s3], $0x80, v3, vm0, $0xb8;
	[tilespmem:$0x12080] =	vst v63  }
0xdd: {  	_ = 	snop  }
0xde: {  	[tilespmem:s20], [sflag:$0x1] =	stream.indirect_vreg.gather [hbm4b:s5+s3], $0x80, v3, vm0, $0xb8;
	[tilespmem:$0x12080] =	vst v63  }
0xdf: {  	_ = 	snop  }
0xe0: {  	[tilespmem:s9], [sflag:$0x1] =	stream.indirect_vreg.gather [hbm4b:s6+s3], $0x80, v3, vm0, $0xb8;
	[tilespmem:$0x12080] =	vst v63  }
0xe1: {  	v3 =	vld [tilespmem:$0x40];
	_ =	sdelay $0x4  }
0xe2: {  	v62 =	vshrl.u32 v3, $0x3  }
0xe3: {  	v4 =	vmul.u32 $0x30, v62  }
0xe4: {  	v3 =	vand.u32 $0x7, v3  }
0xe5: {  	v3 =	vor.u32 v3, v4  }
0xe6: {  	v4 =	vperm.xlane v3, v0;
	_ =	sdelay $0x1  }
0xe7: {  	v4 =	vadd.s32 v1, v4;
	_ =	sdelay $0x3  }
0xe8: {  	s22 =	simm.s32 $0xC080;
	v3 =	vperm.xlane v3, v2  }
0xe9: {  	[tilespmem:s22], [sflag:$0x1] =	stream.indirect_vreg.gather [hbm4b:s2+s3], $0x80, v4, vm0, $0xb8;
	[tilespmem:$0x12080] =	vst v63  }
0xea: {  	v3 =	vadd.s32 v1, v3;
	s22 =	simm.s32 $0xC880  }
0xeb: {  	[tilespmem:s22], [sflag:$0x1] =	stream.indirect_vreg.gather [hbm4b:s5+s3], $0x80, v4, vm0, $0xb8;
	[tilespmem:$0x12080] =	vst v63  }
0xec: {  	s22 =	simm.s32 $0xD080  }
0xed: {  	[tilespmem:s22], [sflag:$0x1] =	stream.indirect_vreg.gather [hbm4b:s6+s3], $0x80, v4, vm0, $0xb8;
	[tilespmem:$0x12080] =	vst v63  }
0xee: {  	s22 =	simm.s32 $0xD880  }
0xef: {  	[tilespmem:s22], [sflag:$0x1] =	stream.indirect_vreg.gather [hbm4b:s2+s3], $0x80, v3, vm0, $0xb8;
	[tilespmem:$0x12080] =	vst v63  }
0xf0: {  	s22 =	simm.s32 $0xE080  }
0xf1: {  	[tilespmem:s22], [sflag:$0x1] =	stream.indirect_vreg.gather [hbm4b:s5+s3], $0x80, v3, vm0, $0xb8;
	[tilespmem:$0x12080] =	vst v63  }
0xf2: {  	s22 =	simm.s32 $0xE880  }
0xf3: {  	[tilespmem:s22], [sflag:$0x1] =	stream.indirect_vreg.gather [hbm4b:s6+s3], $0x80, v3, vm0, $0xb8;
	[tilespmem:$0x12080] =	vst v63  }
0xf4: {  	v3 =	vld [tilespmem:$0x50];
	_ =	sdelay $0x4  }
0xf5: {  	v63 =	vshrl.u32 v3, $0x3  }
0xf6: {  	v4 =	vmul.u32 $0x30, v63  }
0xf7: {  	v3 =	vand.u32 $0x7, v3  }
0xf8: {  	v3 =	vor.u32 v3, v4  }
0xf9: {  	v4 =	vperm.xlane v3, v0;
	_ =	sdelay $0x1  }
0xfa: {  	v4 =	vadd.s32 v1, v4;
	_ =	sdelay $0x3  }
0xfb: {  	s22 =	simm.s32 $0xF080;
	v3 =	vperm.xlane v3, v2  }
0xfc: {  	[tilespmem:s22], [sflag:$0x1] =	stream.indirect_vreg.gather [hbm4b:s2+s3], $0x80, v4, vm0, $0xb8;
	[tilespmem:$0x12080] =	vst v63  }
0xfd: {  	v3 =	vadd.s32 v1, v3;
	s22 =	simm.s32 $0xF880  }
0xfe: {  	[tilespmem:s22], [sflag:$0x1] =	stream.indirect_vreg.gather [hbm4b:s5+s3], $0x80, v4, vm0, $0xb8;
	[tilespmem:$0x12080] =	vst v63  }
0xff: {  	s22 =	simm.s32 $0x10080  }
0x100: {  	[tilespmem:s22], [sflag:$0x1] =	stream.indirect_vreg.gather [hbm4b:s6+s3], $0x80, v4, vm0, $0xb8;
	[tilespmem:$0x12080] =	vst v63  }
0x101: {  	s22 =	simm.s32 $0x10880  }
0x102: {  	[tilespmem:s22], [sflag:$0x1] =	stream.indirect_vreg.gather [hbm4b:s2+s3], $0x80, v3, vm0, $0xb8;
	[tilespmem:$0x12080] =	vst v63  }
0x103: {  	s22 =	simm.s32 $0x11080  }
0x104: {  	[tilespmem:s22], [sflag:$0x1] =	stream.indirect_vreg.gather [hbm4b:s5+s3], $0x80, v3, vm0, $0xb8;
	[tilespmem:$0x12080] =	vst v63  }
0x105: {  	s22 =	simm.s32 $0x11880  }
0x106: {  	[tilespmem:s22], [sflag:$0x1] =	stream.indirect_vreg.gather [hbm4b:s6+s3], $0x80, v3, vm0, $0xb8;
	[tilespmem:$0x12080] =	vst v63  }
0x107: {  	_ =	swait.ge [sflag:s21], $0x12000  }
0x108: {  	p0 =	sne.s32 s7, $0x1;
	s0 =	simm.s32 $0x80;
	[sflag:s21] =	ssyncset.done $0x0  }
.Ltmp0:
0x109: {  	s22 =	rddreg [dreg:$0x5];
	[sflag:s21] =	ssyncadd.s32 $0xFFFEE000;
	(pc) =	sbr.rel @p0 .LBB2_1-.Ltmp0, $4  }
0x10a: {  	[hbm4b:s22+s3] =	stream.linear.scatter [tilespmem:s0], [sflag:$0x2], $0x12000, $0x38;
	[tilespmem:$0x12080] =	vst v63  }
0x10b: {  	_ =	swait.ge [sflag:s8], $0x12000  }
0x10c: {  	[sflag:s8] =	ssyncset.done $0x0  }
0x10d: {  	s7 =	sadd.s32 $0xFFFFFFFF, s7;
	[sflag:s8] =	ssyncadd.s32 $0xFFFEE000  }
0x10e: {  	_ =	sfence.sel $0x180000  }
0x10f: {  	[bflag:$0x0] =	sbarrier.arrive $0xFFFF  }
0x110: {  	_ =	strace $0x90000047  }
0x111: {  	s0 =	stileid.u32;
	[bflag:$0x2] =	sbarrier.arrive $0xFFFF  }
0x112: {  	p0 =	sne.s32 s0, $0x0;
	s0 =	rddreg [dreg:$0x2]  }
0x113: {  	s0 =	sadd.s32 @!p0 $0x100000, s0  }
0x114: {  	[sflag:s0] =	ssyncadd.tile.s32 @!p0 $0x1;
	_ =	shalt  }
.Lfunc_end2:
_tile_overlayer_lowered:
.L_overlay_start_2:
0x115: {  	(tag) =	ssettag $0x2  }
0x116: {  	s0 =	rddreg [dreg:$0x0];
	s2 =	stileid.u32  }
0x117: {  	s1 =	rddreg [dreg:$0x1];
	p0 =	sne.s32 s2, $0x0  }
0x118: {  	s3 =	rddreg [dreg:$0x2];
	[bflag:$0x3] =	sbarrier.arrive $0xFFFF;
	s2 =	simm.s32 @!p0 $0x1C02  }
0x119: {  	[timem:s3], [sflag:s2] =	dma.local @!p0 [hbm:s0], s1  }
0x11a: {  	s0 =	simm.s32 @!p0 $0x2  }
0x11b: {  	_ =	swait.ge @!p0 [sflag:s0], s1  }
0x11c: {  	s1 =	ssub.s32 @!p0 $0x0, s1;
	[sflag:s0] =	ssyncset.done @!p0 $0x0  }
0x11d: {  	[sflag:s0] =	ssyncadd.s32 @!p0 s1  }
0x11e: {  	[bflag:$0x3] =	sbarrier.arrive $0xFFFF  }
0x11f: {  	_ =	shalt  }

// kernel: kernel.13.cloned.1.call-start
scs
__scs_entry_jumppad:
0x0: {  	(pc) =	sbr.rel $0x88, $3  }
0x1: {  	(tag) =	ssettag $0x0;
	lr =	simm.s32 $0x1  }
0x2: {  	[smem:$0x3F93] =	sst lr;
	_ =	strace $0xD0000000  }
0x3: {  	_ = 	snop  }
0x4: {  	_ = 	snop  }
0x5: {  	_ = 	snop  }
0x6: {  	_ = 	snop  }
0x7: {  	_ = 	snop  }
__scs_overlays_trampoline_lowered:
0x8: {  	[smem:$0x3FA2] =	sst s0  }
0x9: {  	[smem:$0x3FA3] =	sst s1  }
0xa: {  	[smem:$0x3FA4] =	sst s2  }
0xb: {  	[smem:$0x3FA5] =	sst s3  }
0xc: {  	[smem:$0x3FA6] =	sst s4  }
0xd: {  	[smem:$0x3FA7] =	sst s5  }
0xe: {  	[smem:$0x3FA8] =	sst s6  }
0xf: {  	[smem:$0x3FA9] =	sst s7  }
0x10: {  	[smem:$0x3FAA] =	sst s8  }
0x11: {  	[smem:$0x3FAB] =	sst s9;
	s0 =	simm.s32 @!p0 $0x0  }
0x12: {  	s1 =	sld [smem:$0x3F91];
	s0 =	simm.s32 @p0 $0x1  }
0x13: {  	[smem:$0x3FAC] =	sst s0;
	s0 =	simm.s32 @!p1 $0x0  }
0x14: {  	s2 =	sld [smem:$0x3F90];
	s0 =	simm.s32 @p1 $0x1  }
0x15: {  	[smem:$0x3FAD] =	sst s0;
	s0 =	simm.s32 @!p2 $0x0  }
0x16: {  	s3 =	sld [smem:$0x3FDB];
	s0 =	simm.s32 @p2 $0x1  }
0x17: {  	s4 =	simm.s32 $0x1BF5;
	[smem:$0x3FAF] =	sst s0  }
0x18: {  	s0 =	sld [smem:$0x3F92];
	_ =	swait.ge [sflag:s4], $0x0  }
0x19: {  	s7 =	sld [smem:$0x3F93]  }
0x1a: {  	s8 =	sadd.s32 $0xFFFFE003, lr  }
0x1b: {  	s9 =	sadd.s32 $0xFFFFFEF7, lr;
	s5 =	simm.s32 $0xFFFFFFFF;
	p2 =	slt.u32 s8, $0xFFFFF086  }
0x1c: {  	p1 =	slt.u32 s9, $0xF7A;
	s5 =	simm.s32 @!p2 $0x0  }
0x1d: {  	s5 =	simm.s32 @p1 $0x1;
	p0 =	seq.s32 s7, s2  }
0x1e: {  	s7 =	smul.u32 @!p0 $0xF7A, s2;
	p2 =	seq.s32 @!p0 s5, $0x0  }
0x1f: {  	s9 =	smul.u32 $0xF7A, s1;
	s8 =	simm.s32 @!p0 $0x1BF5;
	p2 =	por !p2, p0  }
0x20: {  	[sflag:s8] =	ssyncset.s32 @!p0 $0xFFFFF086;
	s6 =	sadd.s32 @!p0 s3, s7;
	s7 =	simm.s32 @!p0 $0x108  }
0x21: {  	s3 =	sadd.s32 s3, s9;
	s6 =	sadd.s32 @!p0 $0x88, s6;
	s7 =	simm.s32 @p2 $0x1082  }
0x22: {  	[simem:s7], [sflag:s8] =	dma.local @!p0 [hbm:s6], $0xF7A  }
0x23: {  	s9 =	sor.u32 $0xD0000000, s2;
	s6 =	simm.s32 $0x108;
	_ =	swait.ge @!p0 [sflag:s8], $0x0  }
0x24: {  	s3 =	sadd.s32 $0x88, s3;
	s6 =	simm.s32 @!p1 $0x1082;
	[sflag:s4] =	ssyncset.s32 $0xFFFFF086  }
0x25: {  	[simem:s6], [sflag:s4] =	dma.local [hbm:s3], $0xF7A  }
0x26: {  	[smem:$0x3F93] =	sst s1;
	(tag) =	ssettag s2;
	_ =	strace s9  }
0x27: {  	s1 =	sld [smem:$0x3FA3]  }
0x28: {  	s2 =	sld [smem:$0x3FA4]  }
0x29: {  	s4 =	sld [smem:$0x3FA6]  }
0x2a: {  	p0 =	seq.s32 s5, $0x0;
	s5 =	sld [smem:$0x3FA7]  }
0x2b: {  	s6 =	sld [smem:$0x3FA8]  }
0x2c: {  	s7 =	sld [smem:$0x3FA9]  }
0x2d: {  	s3 =	simm.s32 $0x108;
	s8 =	sld [smem:$0x3FAA]  }
0x2e: {  	s3 =	simm.s32 @!p0 $0x1082;
	s9 =	sld [smem:$0x3FAB]  }
0x2f: {  	lr =	sadd.s32 s0, s3;
	s0 =	sld [smem:$0x3FA2]  }
0x30: {  	s3 =	sld [smem:$0x3FA5]  }
0x31: {  	[smem:$0x3FAE] =	sst s10  }
0x32: {  	s10 =	sld [smem:$0x3FAC];
	_ =	sdelay $0x3  }
0x33: {  	p0 =	seq.s32 s10, $0x1;
	s10 =	sld [smem:$0x3FAE];
	_ =	sdelay $0x3  }
0x34: {  	[smem:$0x3FAE] =	sst s10  }
0x35: {  	s10 =	sld [smem:$0x3FAD];
	_ =	sdelay $0x3  }
0x36: {  	p1 =	seq.s32 s10, $0x1;
	s10 =	sld [smem:$0x3FAE];
	_ =	sdelay $0x3  }
0x37: {  	[smem:$0x3FAE] =	sst s10  }
0x38: {  	s10 =	sld [smem:$0x3FAF]  }
0x39: {  	_ = 	snop;
	(pc) =	sbr.ind lr, $3  }
0x3a: {  	_ = 	snop  }
0x3b: {  	_ = 	snop  }
0x3c: {  	p2 =	seq.s32 s10, $0x1;
	s10 =	sld [smem:$0x3FAE]  }
0x3d: {  	_ =	shalt  }
0x3e: {  	_ =	shalt  }
0x3f: {  	_ =	shalt  }
0x40: {  	_ =	shalt  }
0x41: {  	_ =	shalt  }
0x42: {  	_ =	shalt  }
0x43: {  	_ =	shalt  }
0x44: {  	_ =	shalt  }
0x45: {  	_ =	shalt  }
0x46: {  	_ =	shalt  }
0x47: {  	_ =	shalt  }
0x48: {  	_ =	shalt  }
0x49: {  	_ =	shalt  }
0x4a: {  	_ =	shalt  }
0x4b: {  	_ =	shalt  }
0x4c: {  	_ =	shalt  }
0x4d: {  	_ =	shalt  }
0x4e: {  	_ =	shalt  }
0x4f: {  	_ =	shalt  }
0x50: {  	_ =	shalt  }
0x51: {  	_ =	shalt  }
0x52: {  	_ =	shalt  }
0x53: {  	_ =	shalt  }
0x54: {  	_ =	shalt  }
0x55: {  	_ =	shalt  }
0x56: {  	_ =	shalt  }
0x57: {  	_ =	shalt  }
0x58: {  	_ =	shalt  }
0x59: {  	_ =	shalt  }
0x5a: {  	_ =	shalt  }
0x5b: {  	_ =	shalt  }
0x5c: {  	_ =	shalt  }
0x5d: {  	_ =	shalt  }
0x5e: {  	_ =	shalt  }
0x5f: {  	_ =	shalt  }
0x60: {  	_ =	shalt  }
0x61: {  	_ =	shalt  }
0x62: {  	_ =	shalt  }
0x63: {  	_ =	shalt  }
0x64: {  	_ =	shalt  }
0x65: {  	_ =	shalt  }
0x66: {  	_ =	shalt  }
0x67: {  	_ =	shalt  }
0x68: {  	_ =	shalt  }
0x69: {  	_ =	shalt  }
0x6a: {  	_ =	shalt  }
0x6b: {  	_ =	shalt  }
0x6c: {  	_ =	shalt  }
0x6d: {  	_ =	shalt  }
0x6e: {  	_ =	shalt  }
0x6f: {  	_ =	shalt  }
0x70: {  	_ =	shalt  }
0x71: {  	_ =	shalt  }
0x72: {  	_ =	shalt  }
0x73: {  	_ =	shalt  }
0x74: {  	_ =	shalt  }
0x75: {  	_ =	shalt  }
0x76: {  	_ =	shalt  }
0x77: {  	_ =	shalt  }
0x78: {  	_ =	shalt  }
0x79: {  	_ =	shalt  }
0x7a: {  	_ =	shalt  }
0x7b: {  	_ =	shalt  }
0x7c: {  	_ =	shalt  }
0x7d: {  	_ =	shalt  }
0x7e: {  	_ =	shalt  }
0x7f: {  	_ =	shalt  }
0x80: {  	_ =	shalt  }
0x81: {  	_ =	shalt  }
0x82: {  	_ =	shalt  }
0x83: {  	_ =	shalt  }
0x84: {  	_ =	shalt  }
0x85: {  	_ =	shalt  }
0x86: {  	_ =	shalt  }
0x87: {  	_ =	shalt  }
.Lfunc_end0:
.L_simem_size_0:
called_computation.1_lowered:
.L_overlay_start_0:
0x88: {  	s2 =	sld [smem:$0x3FD9]  }
0x89: {  	s3 =	sld [smem:$0x3FFE];
	_ =	sdelay $0x1  }
0x8a: {  	s1 =	srdreg.scid  }
0x8b: {  	s0 =	sand.u32 $0x1, s1  }
0x8c: {  	s16 =	sshll.u32 s0, $0xA;
	s2 =	sadd.s32 s3, s2  }
0x8d: {  	s2 =	sadd.s32 s2, s16  }
0x8e: {  	[smem:$0x3FBA] =	sst s2  }
0x8f: {  	_ = 	snop  }
0x90: {  	(tm) =	ssettm $0x1  }
0x91: {  	s17 =	sld [smem:$0x3FFB];
	_ =	sdelay $0x3  }
0x92: {  	_ =	strace s17  }
0x93: {  	s2 =	sld [smem:$0x3FFC];
	_ =	sdelay $0x3  }
0x94: {  	_ =	strace s2  }
0x95: {  	s2 =	sld [smem:$0x3FFD];
	_ =	sdelay $0x3  }
0x96: {  	_ =	strace s2  }
0x97: {  	_ =	strace $0x8FFFFFFF  }
0x98: {  	s18 =	sld [smem:$0x3FDB];
	_ =	sdelay $0x1  }
0x99: {  	s19 =	simm.s32 $_scs_section_size  }
0x9a: {  	s4 =	simm.s32 $_size__tile_overlayer_lowered;
	s5 =	simm.s32 $_tile_overlayer_lowered  }
0x9b: {  	s22 =	simm.s32 $0x1BFF;
	s21 =	sshll.u32 s5, $0x1;
	s2 =	sadd.s32 s19, s18  }
0x9c: {  	s6 =	simm.s32 $0x0;
	s20 =	sshll.u32 s4, $0x1;
	s4 =	sadd.s32 s21, s2  }
0x9d: {  	[timem:s6], [sflag:s22] =	dma.local [hbm:s4], s20  }
0x9e: {  	_ =	swait.ge [sflag:s22], s20  }
0x9f: {  	s3 =	ssub.s32 $0x0, s20;
	[sflag:s22] =	ssyncset.done $0x0  }
0xa0: {  	[sflag:s22] =	ssyncadd.s32 s3;
	_ =	sdelay $0x1  }
0xa1: {  	s23 =	simm.s32 $0x1B8B  }
0xa2: {  	_ =	swait.ge [sflag:s23], $0x1  }
0xa3: {  	[sflag:s23] =	ssyncset.done $0x0  }
0xa4: {  	s25 =	simm.s32 $0x1B8E;
	s24 =	sld [smem:$0x3FFE];
	[sflag:s23] =	ssyncadd.s32 $0xFFFFFFFF  }
0xa5: {  	s26 =	simm.s32 $execute0_lowered;
	[smem:$0x3FD2] =	sst s25  }
0xa6: {  	s4 =	sshll.u32 s26, $0x1;
	_ =	strace $0x80000049;
	[dreg:$0x1] =	wrdreg $0xFFFFFFFF  }
0xa7: {  	s28 =	simm.s32 $_size_execute0_lowered;
	s2 =	sadd.s32 s2, s4;
	[dreg:$0x0] =	wrdreg $0x0  }
0xa8: {  	s4 =	sshll.u32 s28, $0x1;
	[dreg:$0x2] =	wrdreg s2  }
0xa9: {  	[dreg:$0x3] =	wrdreg s4  }
0xaa: {  	[dreg:$0x4] =	wrdreg $0xC0  }
0xab: {  	_ =	task [dreg:s6], $0x5FFFF  }
0xac: {  	[dreg:$0x1] =	wrdreg $0xFFFFFFFF  }
0xad: {  	[dreg:$0x0] =	wrdreg $0x60  }
0xae: {  	[dreg:$0x2] =	wrdreg s24  }
0xaf: {  	[dreg:$0x3] =	wrdreg $0x9  }
0xb0: {  	_ =	task.clear_ibuf [dreg:s6], $0x4FFFF;
	_ =	strace $0x90000049  }
0xb1: {  	s29 =	simm.s32 $0x9;
	_ =	strace $0x8000004B  }
0xb2: {  	_ =	swait.ge [sflag:s29], $0x1  }
0xb3: {  	[sflag:s29] =	ssyncadd.s32 $0xFFFFFFFF  }
0xb4: {  	_ =	strace $0x9000004B  }
0xb5: {  	_ =	sfence  }
0xb6: {  	s30 =	sld [smem:$0x0];
	_ =	sdelay $0x2  }
0xb7: {  	s31 =	sshll.u32 s1, $0xD;
	s1 =	sshrl.u32 s1, $0x2  }
0xb8: {  	s3 =	sand.u32 $0x4000, s31;
	s1 =	sadd.s32 s1, s30  }
0xb9: {  	s0 =	sor.u32 s3, s0;
	s1 =	sshll.u32 s1, $0x11  }
0xba: {  	s0 =	sor.u32 s1, s0  }
0xbb: {  	s0 =	sadd.s32 $0x8F2B, s0  }
0xbc: {  	[sflag:s0] =	ssyncadd.remote.s32 $0x1  }
0xbd: {  	_ =	sfence.sel $0xFFFF  }
0xbe: {  	[dreg:$0x0] =	wrdreg $0xFFFFFFFF;
	(pc) =	sbr.abs _section_cstart, $3  }
0xbf: {  	[dreg:$0x1] =	wrdreg $0xFFFFFFFF  }
0xc0: {  	_ =	task.clear_ibuf [dreg:s6], $0x2FFFF;
	_ =	strace $0x9FFFFFFF  }
0xc1: {  	(tm) =	ssettm $0x7FFFFFFF  }
tec
execute0_lowered:
.L_overlay_start_1:
0x0: {  	(tag) =	ssettag $0x1  }
0x1: {  	s1 =	srdreg.scid  }
0x2: {  	s0 =	stileid.u32;
	s1 =	sand.u32 $0x1, s1  }
0x3: {  	s3 =	sshll.u32 s0, $0x5;
	s4 =	sshll.u32 s1, $0x4  }
0x4: {  	s2 =	rddreg [dreg:$0x0];
	s4 =	sor.u32 s4, s3;
	s3 =	simm.s32 $0x0  }
0x5: {  	s26 =	simm.s32 $0x880;
	[smem:$0x7FF] =	sst s3  }
0x6: {  	s0 =	simm.s32 $0x1080;
	_ =	strace $0x8000004A;
	[dreg:$0x4] =	wrdreg s26  }
0x7: {  	s6 =	simm.s32 $0x2080;
	[dreg:$0x5] =	wrdreg s0  }
0x8: {  	s7 =	simm.s32 $0x2880;
	[dreg:$0x7] =	wrdreg s6  }
0x9: {  	s8 =	simm.s32 $0x3080;
	[dreg:$0x8] =	wrdreg s7  }
0xa: {  	s9 =	simm.s32 $0x3880;
	[dreg:$0x9] =	wrdreg s8  }
0xb: {  	s10 =	simm.s32 $0x4080;
	[dreg:$0xa] =	wrdreg s9  }
0xc: {  	s11 =	simm.s32 $0x4880;
	[dreg:$0xb] =	wrdreg s10  }
0xd: {  	s12 =	simm.s32 $0x5080;
	s13 =	simm.s32 $0x5880;
	[dreg:$0xc] =	wrdreg s11  }
0xe: {  	s14 =	simm.s32 $0x6080;
	s15 =	simm.s32 $0x6880;
	[dreg:$0xd] =	wrdreg s12  }
0xf: {  	s16 =	simm.s32 $0x7080;
	s17 =	simm.s32 $0x7880;
	[dreg:$0xe] =	wrdreg s13  }
0x10: {  	s18 =	simm.s32 $0x8080;
	s19 =	simm.s32 $0x8880;
	[dreg:$0xf] =	wrdreg s14  }
0x11: {  	s20 =	simm.s32 $0x9080;
	s22 =	simm.s32 $0x9880;
	[dreg:$0x10] =	wrdreg s15  }
0x12: {  	s23 =	simm.s32 $0xA080;
	s24 =	simm.s32 $0xB880;
	[dreg:$0x11] =	wrdreg s16  }
0x13: {  	s28 =	simm.s32 $0x16080;
	s29 =	simm.s32 $0x16880;
	[dreg:$0x12] =	wrdreg s17  }
0x14: {  	s30 =	simm.s32 $0x17080;
	s1 =	ssub.s32 $0x2, s1;
	[dreg:$0x13] =	wrdreg s18  }
0x15: {  	s31 =	simm.s32 $0x17880;
	s21 =	sshrl.u32 s1, $0x1;
	[dreg:$0x14] =	wrdreg s19  }
0x16: {  	s5 =	smul.u32 $0x300, s4;
	s4 =	sadd.s32 s4, s2;
	[dreg:$0x15] =	wrdreg s20  }
0x17: {  	s1 =	ssub.s32 s1, s21;
	s21 =	simm.s32 $0x13080;
	[dreg:$0x16] =	wrdreg s22  }
0x18: {  	s4 =	sadd.s32 $0x90400, s4;
	[dreg:$0x17] =	wrdreg s23;
	s6 =	simm.s32 $0xA880  }
0x19: {  	s7 =	simm.s32 $0xB080;
	[dreg:$0x1a] =	wrdreg s24;
	s8 =	simm.s32 $0x80  }
0x1a: {  	s26 =	simm.s32 $0xC880;
	s10 =	simm.s32 $0xD880;
	s11 =	simm.s32 $0xE080  }
0x1b: {  	s12 =	simm.s32 $0xE880;
	s13 =	simm.s32 $0xF080;
	s14 =	simm.s32 $0xF880  }
0x1c: {  	s15 =	simm.s32 $0x10080;
	s16 =	simm.s32 $0x10880;
	s17 =	simm.s32 $0x11080  }
0x1d: {  	s18 =	simm.s32 $0x11880;
	s19 =	simm.s32 $0x12080;
	s20 =	simm.s32 $0x12880  }
0x1e: {  	s22 =	simm.s32 $0x13880;
	s23 =	simm.s32 $0x14080;
	[dreg:$0x2] =	wrdreg s4  }
0x1f: {  	s24 =	simm.s32 $0x14880;
	s5 =	sadd.s32 s5, s2;
	[dreg:$0x18] =	wrdreg s6  }
0x20: {  	s4 =	sadd.s32 $0x100, s2;
	s6 =	smax.u32 s1, $0x1;
	[dreg:$0x19] =	wrdreg s7  }
0x21: {  	s7 =	simm.s32 $0x2;
	[dreg:$0x1c] =	wrdreg s26;
	s25 =	sadd.s32 $0x90600, s5  }
0x22: {  	v2 =	vlaneseq.u32;
	s26 =	simm.s32 $0x15880;
	s5 =	simm.s32 $0x1880;
	[dreg:$0x3] =	wrdreg s25  }
0x23: {  	vm0 =	vmmov $0xffff;
	v1 =	vshrl.u32 v2, $0x3;
	s1 =	simm.s32 $0x1;
	[dreg:$0x6] =	wrdreg s5;
	s25 =	simm.s32 $0xC080  }
0x24: {  	v0 =	vand.u32 $0x7, v2;
	v2 =	vor.u32 $0x8, v2;
	v1 =	vmul.u32 $0x8, v1;
	s5 =	sadd.s32 $0x200, s2;
	[dreg:$0x1b] =	wrdreg s25;
	s25 =	simm.s32 $0x15080  }
.LBB2_1:
0x25: {  	s0 =	rddreg [dreg:$0x2]  }
0x26: {  	[tilespmem:s3], [sflag:$0x2] =	stream.linear.gather [hbm4b:s0+s3], $0x80, $0x38;
	[tilespmem:$0x18080] =	vst v63  }
0x27: {  	_ =	swait.ge [sflag:s7], $0x80  }
0x28: {  	[sflag:s7] =	ssyncset.done $0x0  }
0x29: {  	[sflag:s7] =	ssyncadd.s32 $0xFFFFFF80  }
0x2a: {  	v3 =	vld [tilespmem:$0x0];
	_ =	sdelay $0x4  }
0x2b: {  	v4 =	vshrl.u32 v3, $0x3  }
0x2c: {  	v4 =	vmul.u32 $0x30, v4  }
0x2d: {  	v3 =	vand.u32 $0x7, v3  }
0x2e: {  	v3 =	vor.u32 v3, v4  }
0x2f: {  	v4 =	vperm.xlane v3, v0;
	_ =	sdelay $0x1  }
0x30: {  	v4 =	vadd.s32 v1, v4;
	_ =	sdelay $0x3  }
0x31: {  	v3 =	vperm.xlane v3, v2  }
0x32: {  	[tilespmem:s8], [sflag:$0x1] =	stream.indirect_vreg.gather [hbm4b:s2+s3], $0x80, v4, vm0, $0xb8;
	[tilespmem:$0x18080] =	vst v63  }
0x33: {  	s0 =	rddreg [dreg:$0x4];
	v3 =	vadd.s32 v1, v3  }
0x34: {  	[tilespmem:s0], [sflag:$0x1] =	stream.indirect_vreg.gather [hbm4b:s4+s3], $0x80, v4, vm0, $0xb8;
	[tilespmem:$0x18080] =	vst v63  }
0x35: {  	s9 =	rddreg [dreg:$0x5]  }
0x36: {  	[tilespmem:s9], [sflag:$0x1] =	stream.indirect_vreg.gather [hbm4b:s5+s3], $0x80, v4, vm0, $0xb8;
	[tilespmem:$0x18080] =	vst v63  }
0x37: {  	s0 =	rddreg [dreg:$0x6]  }
0x38: {  	[tilespmem:s0], [sflag:$0x1] =	stream.indirect_vreg.gather [hbm4b:s2+s3], $0x80, v3, vm0, $0xb8;
	[tilespmem:$0x18080] =	vst v63  }
0x39: {  	s9 =	rddreg [dreg:$0x7]  }
0x3a: {  	[tilespmem:s9], [sflag:$0x1] =	stream.indirect_vreg.gather [hbm4b:s4+s3], $0x80, v3, vm0, $0xb8;
	[tilespmem:$0x18080] =	vst v63  }
0x3b: {  	s0 =	rddreg [dreg:$0x8]  }
0x3c: {  	[tilespmem:s0], [sflag:$0x1] =	stream.indirect_vreg.gather [hbm4b:s5+s3], $0x80, v3, vm0, $0xb8;
	[tilespmem:$0x18080] =	vst v63  }
0x3d: {  	v3 =	vld [tilespmem:$0x10];
	_ =	sdelay $0x4  }
0x3e: {  	v57 =	vshrl.u32 v3, $0x3  }
0x3f: {  	v4 =	vmul.u32 $0x30, v57  }
0x40: {  	v3 =	vand.u32 $0x7, v3  }
0x41: {  	v3 =	vor.u32 v3, v4  }
0x42: {  	v4 =	vperm.xlane v3, v0;
	_ =	sdelay $0x1  }
0x43: {  	v4 =	vadd.s32 v1, v4;
	_ =	sdelay $0x3  }
0x44: {  	s0 =	rddreg [dreg:$0x9];
	v3 =	vperm.xlane v3, v2  }
0x45: {  	[tilespmem:s0], [sflag:$0x1] =	stream.indirect_vreg.gather [hbm4b:s2+s3], $0x80, v4, vm0, $0xb8;
	[tilespmem:$0x18080] =	vst v63  }
0x46: {  	s9 =	rddreg [dreg:$0xa];
	v3 =	vadd.s32 v1, v3  }
0x47: {  	[tilespmem:s9], [sflag:$0x1] =	stream.indirect_vreg.gather [hbm4b:s4+s3], $0x80, v4, vm0, $0xb8;
	[tilespmem:$0x18080] =	vst v63  }
0x48: {  	s0 =	rddreg [dreg:$0xb]  }
0x49: {  	[tilespmem:s0], [sflag:$0x1] =	stream.indirect_vreg.gather [hbm4b:s5+s3], $0x80, v4, vm0, $0xb8;
	[tilespmem:$0x18080] =	vst v63  }
0x4a: {  	s9 =	rddreg [dreg:$0xc]  }
0x4b: {  	[tilespmem:s9], [sflag:$0x1] =	stream.indirect_vreg.gather [hbm4b:s2+s3], $0x80, v3, vm0, $0xb8;
	[tilespmem:$0x18080] =	vst v63  }
0x4c: {  	s0 =	rddreg [dreg:$0xd]  }
0x4d: {  	[tilespmem:s0], [sflag:$0x1] =	stream.indirect_vreg.gather [hbm4b:s4+s3], $0x80, v3, vm0, $0xb8;
	[tilespmem:$0x18080] =	vst v63  }
0x4e: {  	s9 =	rddreg [dreg:$0xe]  }
0x4f: {  	[tilespmem:s9], [sflag:$0x1] =	stream.indirect_vreg.gather [hbm4b:s5+s3], $0x80, v3, vm0, $0xb8;
	[tilespmem:$0x18080] =	vst v63  }
0x50: {  	v3 =	vld [tilespmem:$0x20];
	_ =	sdelay $0x4  }
0x51: {  	v58 =	vshrl.u32 v3, $0x3  }
0x52: {  	v4 =	vmul.u32 $0x30, v58  }
0x53: {  	v3 =	vand.u32 $0x7, v3  }
0x54: {  	v3 =	vor.u32 v3, v4  }
0x55: {  	v4 =	vperm.xlane v3, v0;
	_ =	sdelay $0x1  }
0x56: {  	v4 =	vadd.s32 v1, v4;
	_ =	sdelay $0x3  }
0x57: {  	s0 =	rddreg [dreg:$0xf];
	v3 =	vperm.xlane v3, v2  }
0x58: {  	[tilespmem:s0], [sflag:$0x1] =	stream.indirect_vreg.gather [hbm4b:s2+s3], $0x80, v4, vm0, $0xb8;
	[tilespmem:$0x18080] =	vst v63  }
0x59: {  	s9 =	rddreg [dreg:$0x10];
	v3 =	vadd.s32 v1, v3  }
0x5a: {  	[tilespmem:s9], [sflag:$0x1] =	stream.indirect_vreg.gather [hbm4b:s4+s3], $0x80, v4, vm0, $0xb8;
	[tilespmem:$0x18080] =	vst v63  }
0x5b: {  	s0 =	rddreg [dreg:$0x11]  }
0x5c: {  	[tilespmem:s0], [sflag:$0x1] =	stream.indirect_vreg.gather [hbm4b:s5+s3], $0x80, v4, vm0, $0xb8;
	[tilespmem:$0x18080] =	vst v63  }
0x5d: {  	s9 =	rddreg [dreg:$0x12]  }
0x5e: {  	[tilespmem:s9], [sflag:$0x1] =	stream.indirect_vreg.gather [hbm4b:s2+s3], $0x80, v3, vm0, $0xb8;
	[tilespmem:$0x18080] =	vst v63  }
0x5f: {  	s0 =	rddreg [dreg:$0x13]  }
0x60: {  	[tilespmem:s0], [sflag:$0x1] =	stream.indirect_vreg.gather [hbm4b:s4+s3], $0x80, v3, vm0, $0xb8;
	[tilespmem:$0x18080] =	vst v63  }
0x61: {  	s9 =	rddreg [dreg:$0x14]  }
0x62: {  	[tilespmem:s9], [sflag:$0x1] =	stream.indirect_vreg.gather [hbm4b:s5+s3], $0x80, v3, vm0, $0xb8;
	[tilespmem:$0x18080] =	vst v63  }
0x63: {  	v3 =	vld [tilespmem:$0x30];
	_ =	sdelay $0x4  }
0x64: {  	v59 =	vshrl.u32 v3, $0x3  }
0x65: {  	v4 =	vmul.u32 $0x30, v59  }
0x66: {  	v3 =	vand.u32 $0x7, v3  }
0x67: {  	v3 =	vor.u32 v3, v4  }
0x68: {  	v4 =	vperm.xlane v3, v0;
	_ =	sdelay $0x1  }
0x69: {  	v4 =	vadd.s32 v1, v4;
	_ =	sdelay $0x3  }
0x6a: {  	s0 =	rddreg [dreg:$0x15];
	v3 =	vperm.xlane v3, v2  }
0x6b: {  	[tilespmem:s0], [sflag:$0x1] =	stream.indirect_vreg.gather [hbm4b:s2+s3], $0x80, v4, vm0, $0xb8;
	[tilespmem:$0x18080] =	vst v63  }
0x6c: {  	s9 =	rddreg [dreg:$0x16];
	v3 =	vadd.s32 v1, v3  }
0x6d: {  	[tilespmem:s9], [sflag:$0x1] =	stream.indirect_vreg.gather [hbm4b:s4+s3], $0x80, v4, vm0, $0xb8;
	[tilespmem:$0x18080] =	vst v63  }
0x6e: {  	s0 =	rddreg [dreg:$0x17]  }
0x6f: {  	[tilespmem:s0], [sflag:$0x1] =	stream.indirect_vreg.gather [hbm4b:s5+s3], $0x80, v4, vm0, $0xb8;
	[tilespmem:$0x18080] =	vst v63  }
0x70: {  	s9 =	rddreg [dreg:$0x18]  }
0x71: {  	[tilespmem:s9], [sflag:$0x1] =	stream.indirect_vreg.gather [hbm4b:s2+s3], $0x80, v3, vm0, $0xb8;
	[tilespmem:$0x18080] =	vst v63  }
0x72: {  	s0 =	rddreg [dreg:$0x19]  }
0x73: {  	[tilespmem:s0], [sflag:$0x1] =	stream.indirect_vreg.gather [hbm4b:s4+s3], $0x80, v3, vm0, $0xb8;
	[tilespmem:$0x18080] =	vst v63  }
0x74: {  	s9 =	rddreg [dreg:$0x1a]  }
0x75: {  	[tilespmem:s9], [sflag:$0x1] =	stream.indirect_vreg.gather [hbm4b:s5+s3], $0x80, v3, vm0, $0xb8;
	[tilespmem:$0x18080] =	vst v63  }
0x76: {  	v3 =	vld [tilespmem:$0x40];
	_ =	sdelay $0x4  }
0x77: {  	v60 =	vshrl.u32 v3, $0x3  }
0x78: {  	v4 =	vmul.u32 $0x30, v60  }
0x79: {  	v3 =	vand.u32 $0x7, v3  }
0x7a: {  	v3 =	vor.u32 v3, v4  }
0x7b: {  	v4 =	vperm.xlane v3, v0;
	_ =	sdelay $0x1  }
0x7c: {  	v4 =	vadd.s32 v1, v4;
	_ =	sdelay $0x3  }
0x7d: {  	s0 =	rddreg [dreg:$0x1b];
	v3 =	vperm.xlane v3, v2  }
0x7e: {  	[tilespmem:s0], [sflag:$0x1] =	stream.indirect_vreg.gather [hbm4b:s2+s3], $0x80, v4, vm0, $0xb8;
	[tilespmem:$0x18080] =	vst v63  }
0x7f: {  	s9 =	rddreg [dreg:$0x1c];
	v3 =	vadd.s32 v1, v3  }
0x80: {  	[tilespmem:s9], [sflag:$0x1] =	stream.indirect_vreg.gather [hbm4b:s4+s3], $0x80, v4, vm0, $0xb8;
	[tilespmem:$0x18080] =	vst v63  }
0x81: {  	s9 =	simm.s32 $0xD080  }
0x82: {  	[tilespmem:s9], [sflag:$0x1] =	stream.indirect_vreg.gather [hbm4b:s5+s3], $0x80, v4, vm0, $0xb8;
	[tilespmem:$0x18080] =	vst v63  }
0x83: {  	_ = 	snop  }
0x84: {  	[tilespmem:s10], [sflag:$0x1] =	stream.indirect_vreg.gather [hbm4b:s2+s3], $0x80, v3, vm0, $0xb8;
	[tilespmem:$0x18080] =	vst v63  }
0x85: {  	_ = 	snop  }
0x86: {  	[tilespmem:s11], [sflag:$0x1] =	stream.indirect_vreg.gather [hbm4b:s4+s3], $0x80, v3, vm0, $0xb8;
	[tilespmem:$0x18080] =	vst v63  }
0x87: {  	_ = 	snop  }
0x88: {  	[tilespmem:s12], [sflag:$0x1] =	stream.indirect_vreg.gather [hbm4b:s5+s3], $0x80, v3, vm0, $0xb8;
	[tilespmem:$0x18080] =	vst v63  }
0x89: {  	v3 =	vld [tilespmem:$0x50];
	_ =	sdelay $0x4  }
0x8a: {  	v61 =	vshrl.u32 v3, $0x3  }
0x8b: {  	v4 =	vmul.u32 $0x30, v61  }
0x8c: {  	v3 =	vand.u32 $0x7, v3  }
0x8d: {  	v3 =	vor.u32 v3, v4  }
0x8e: {  	v4 =	vperm.xlane v3, v0;
	_ =	sdelay $0x1  }
0x8f: {  	v4 =	vadd.s32 v1, v4;
	_ =	sdelay $0x3  }
0x90: {  	v3 =	vperm.xlane v3, v2  }
0x91: {  	[tilespmem:s13], [sflag:$0x1] =	stream.indirect_vreg.gather [hbm4b:s2+s3], $0x80, v4, vm0, $0xb8;
	[tilespmem:$0x18080] =	vst v63  }
0x92: {  	v3 =	vadd.s32 v1, v3  }
0x93: {  	[tilespmem:s14], [sflag:$0x1] =	stream.indirect_vreg.gather [hbm4b:s4+s3], $0x80, v4, vm0, $0xb8;
	[tilespmem:$0x18080] =	vst v63  }
0x94: {  	_ = 	snop  }
0x95: {  	[tilespmem:s15], [sflag:$0x1] =	stream.indirect_vreg.gather [hbm4b:s5+s3], $0x80, v4, vm0, $0xb8;
	[tilespmem:$0x18080] =	vst v63  }
0x96: {  	_ = 	snop  }
0x97: {  	[tilespmem:s16], [sflag:$0x1] =	stream.indirect_vreg.gather [hbm4b:s2+s3], $0x80, v3, vm0, $0xb8;
	[tilespmem:$0x18080] =	vst v63  }
0x98: {  	_ = 	snop  }
0x99: {  	[tilespmem:s17], [sflag:$0x1] =	stream.indirect_vreg.gather [hbm4b:s4+s3], $0x80, v3, vm0, $0xb8;
	[tilespmem:$0x18080] =	vst v63  }
0x9a: {  	_ = 	snop  }
0x9b: {  	[tilespmem:s18], [sflag:$0x1] =	stream.indirect_vreg.gather [hbm4b:s5+s3], $0x80, v3, vm0, $0xb8;
	[tilespmem:$0x18080] =	vst v63  }
0x9c: {  	v3 =	vld [tilespmem:$0x60];
	_ =	sdelay $0x4  }
0x9d: {  	v62 =	vshrl.u32 v3, $0x3  }
0x9e: {  	v4 =	vmul.u32 $0x30, v62  }
0x9f: {  	v3 =	vand.u32 $0x7, v3  }
0xa0: {  	v3 =	vor.u32 v3, v4  }
0xa1: {  	v4 =	vperm.xlane v3, v0;
	_ =	sdelay $0x1  }
0xa2: {  	v4 =	vadd.s32 v1, v4;
	_ =	sdelay $0x3  }
0xa3: {  	v3 =	vperm.xlane v3, v2  }
0xa4: {  	[tilespmem:s19], [sflag:$0x1] =	stream.indirect_vreg.gather [hbm4b:s2+s3], $0x80, v4, vm0, $0xb8;
	[tilespmem:$0x18080] =	vst v63  }
0xa5: {  	v3 =	vadd.s32 v1, v3  }
0xa6: {  	[tilespmem:s20], [sflag:$0x1] =	stream.indirect_vreg.gather [hbm4b:s4+s3], $0x80, v4, vm0, $0xb8;
	[tilespmem:$0x18080] =	vst v63  }
0xa7: {  	_ = 	snop  }
0xa8: {  	[tilespmem:s21], [sflag:$0x1] =	stream.indirect_vreg.gather [hbm4b:s5+s3], $0x80, v4, vm0, $0xb8;
	[tilespmem:$0x18080] =	vst v63  }
0xa9: {  	_ = 	snop  }
0xaa: {  	[tilespmem:s22], [sflag:$0x1] =	stream.indirect_vreg.gather [hbm4b:s2+s3], $0x80, v3, vm0, $0xb8;
	[tilespmem:$0x18080] =	vst v63  }
0xab: {  	_ = 	snop  }
0xac: {  	[tilespmem:s23], [sflag:$0x1] =	stream.indirect_vreg.gather [hbm4b:s4+s3], $0x80, v3, vm0, $0xb8;
	[tilespmem:$0x18080] =	vst v63  }
0xad: {  	_ = 	snop  }
0xae: {  	[tilespmem:s24], [sflag:$0x1] =	stream.indirect_vreg.gather [hbm4b:s5+s3], $0x80, v3, vm0, $0xb8;
	[tilespmem:$0x18080] =	vst v63  }
0xaf: {  	v3 =	vld [tilespmem:$0x70];
	_ =	sdelay $0x4  }
0xb0: {  	v63 =	vshrl.u32 v3, $0x3  }
0xb1: {  	v4 =	vmul.u32 $0x30, v63  }
0xb2: {  	v3 =	vand.u32 $0x7, v3  }
0xb3: {  	v3 =	vor.u32 v3, v4  }
0xb4: {  	v4 =	vperm.xlane v3, v0;
	_ =	sdelay $0x1  }
0xb5: {  	v4 =	vadd.s32 v1, v4;
	_ =	sdelay $0x3  }
0xb6: {  	v3 =	vperm.xlane v3, v2  }
0xb7: {  	[tilespmem:s25], [sflag:$0x1] =	stream.indirect_vreg.gather [hbm4b:s2+s3], $0x80, v4, vm0, $0xb8;
	[tilespmem:$0x18080] =	vst v63  }
0xb8: {  	v3 =	vadd.s32 v1, v3  }
0xb9: {  	[tilespmem:s26], [sflag:$0x1] =	stream.indirect_vreg.gather [hbm4b:s4+s3], $0x80, v4, vm0, $0xb8;
	[tilespmem:$0x18080] =	vst v63  }
0xba: {  	_ = 	snop  }
0xbb: {  	[tilespmem:s28], [sflag:$0x1] =	stream.indirect_vreg.gather [hbm4b:s5+s3], $0x80, v4, vm0, $0xb8;
	[tilespmem:$0x18080] =	vst v63  }
0xbc: {  	_ = 	snop  }
0xbd: {  	[tilespmem:s29], [sflag:$0x1] =	stream.indirect_vreg.gather [hbm4b:s2+s3], $0x80, v3, vm0, $0xb8;
	[tilespmem:$0x18080] =	vst v63  }
0xbe: {  	_ = 	snop  }
0xbf: {  	[tilespmem:s30], [sflag:$0x1] =	stream.indirect_vreg.gather [hbm4b:s4+s3], $0x80, v3, vm0, $0xb8;
	[tilespmem:$0x18080] =	vst v63  }
0xc0: {  	_ = 	snop  }
0xc1: {  	[tilespmem:s31], [sflag:$0x1] =	stream.indirect_vreg.gather [hbm4b:s5+s3], $0x80, v3, vm0, $0xb8;
	[tilespmem:$0x18080] =	vst v63  }
0xc2: {  	_ =	swait.ge [sflag:s1], $0x18000  }
0xc3: {  	p0 =	sne.s32 s6, $0x1;
	[sflag:s1] =	ssyncset.done $0x0  }
.Ltmp0:
0xc4: {  	s9 =	rddreg [dreg:$0x3];
	[sflag:s1] =	ssyncadd.s32 $0xFFFE8000;
	(pc) =	sbr.rel @p0 .LBB2_1-.Ltmp0, $4  }
0xc5: {  	[hbm4b:s9+s3] =	stream.linear.scatter [tilespmem:s8], [sflag:$0x2], $0x18000, $0x38;
	[tilespmem:$0x18080] =	vst v63  }
0xc6: {  	_ =	swait.ge [sflag:s7], $0x18000  }
0xc7: {  	[sflag:s7] =	ssyncset.done $0x0  }
0xc8: {  	s6 =	sadd.s32 $0xFFFFFFFF, s6;
	[sflag:s7] =	ssyncadd.s32 $0xFFFE8000  }
0xc9: {  	_ =	sfence.sel $0x180000  }
0xca: {  	[bflag:$0x0] =	sbarrier.arrive $0xFFFF  }
0xcb: {  	_ =	strace $0x9000004A  }
0xcc: {  	s0 =	stileid.u32;
	[bflag:$0x2] =	sbarrier.arrive $0xFFFF  }
0xcd: {  	p0 =	sne.s32 s0, $0x0;
	s0 =	rddreg [dreg:$0x1]  }
0xce: {  	s0 =	sadd.s32 @!p0 $0x100000, s0  }
0xcf: {  	[sflag:s0] =	ssyncadd.tile.s32 @!p0 $0x1;
	_ =	shalt  }
.Lfunc_end2:
_tile_overlayer_lowered:
.L_overlay_start_2:
0xd0: {  	(tag) =	ssettag $0x2  }
0xd1: {  	s0 =	rddreg [dreg:$0x0];
	s2 =	stileid.u32  }
0xd2: {  	s1 =	rddreg [dreg:$0x1];
	p0 =	sne.s32 s2, $0x0  }
0xd3: {  	s3 =	rddreg [dreg:$0x2];
	[bflag:$0x3] =	sbarrier.arrive $0xFFFF;
	s2 =	simm.s32 @!p0 $0x1C02  }
0xd4: {  	[timem:s3], [sflag:s2] =	dma.local @!p0 [hbm:s0], s1  }
0xd5: {  	s0 =	simm.s32 @!p0 $0x2  }
0xd6: {  	_ =	swait.ge @!p0 [sflag:s0], s1  }
0xd7: {  	s1 =	ssub.s32 @!p0 $0x0, s1;
	[sflag:s0] =	ssyncset.done @!p0 $0x0  }
0xd8: {  	[sflag:s0] =	ssyncadd.s32 @!p0 s1  }
0xd9: {  	[bflag:$0x3] =	sbarrier.arrive $0xFFFF  }
0xda: {  	_ =	shalt  }

</sc_bundles>
